<compile_context>
chip_gen: v7x
topology: tpu7x:2x2x1
jax: 0.10.2.dev20260603
libtpu: 0.0.44.dev20260713+nightly
codegen_flags: <defaults>
</compile_context>

<pallas_src>
import functools

import jax
import jax.numpy as jnp
from jax import lax
from jax.experimental import pallas as pl
from jax.experimental.pallas import tpu as pltpu
from jax.experimental.pallas import tpu_sc as plsc

_VOCAB = 100000
_DIM = 16
_B = 16384
_F = 26
_NF = 25
_NMETA = 4
_GCOLS = _NF * _DIM
_HIDDEN = 64

_NW = 32
_RB = _B // _NW
_CHUNK = 128
_NCH = _RB // _CHUNK
_TB = 2048


def _sc_gather(inputs, tables):
    mesh = plsc.VectorSubcoreMesh(core_axis_name="c", subcore_axis_name="s")
    nc = mesh.num_cores
    nlane = _RB // 16

    @functools.partial(
        pl.kernel,
        out_type=jax.ShapeDtypeStruct((_B, _GCOLS), jnp.float32),
        mesh=mesh,
        scratch_types=[
            pltpu.VMEM((_RB, _F), jnp.int32),
            pltpu.VMEM((_RB,), jnp.int32),
            pltpu.VMEM((_RB, _DIM), jnp.float32),
            pltpu.SemaphoreType.DMA,
        ],
        compiler_params=pltpu.CompilerParams(
            use_tc_tiling_on_sc=False, needs_layout_passes=False
        ),
    )
    def k(in_hbm, tab_hbm, out_hbm, blk_v, idx_v, rows_v, sem):
        wid = lax.axis_index("s") * nc + lax.axis_index("c")
        base = wid * _RB
        pltpu.sync_copy(in_hbm.at[pl.ds(base, _RB), :], blk_v)

        @pl.loop(0, _NF)
        def _field(f):
            fld = f + 1
            col = jnp.full((16,), fld, dtype=jnp.int32)
            for j in range(nlane):
                rows = lax.iota(jnp.int32, 16) + (16 * j)
                vals = plsc.load_gather(blk_v, [rows, col])
                idx_v[pl.ds(j * 16, 16)] = vals
            copies = [
                pltpu.async_copy(
                    tab_hbm.at[fld].at[idx_v.at[pl.ds(c * _CHUNK, _CHUNK)]],
                    rows_v.at[pl.ds(c * _CHUNK, _CHUNK)],
                    sem,
                )
                for c in range(_NCH)
            ]
            for cp in copies:
                cp.wait()
            pltpu.sync_copy(
                rows_v, out_hbm.at[pl.ds(base, _RB), pl.ds(f * _DIM, _DIM)]
            )

    return k(inputs, tables)


def _mlp_body(g_ref, w1_ref, b1_ref, w2_ref, b2_ref, out_ref):
    z = (
        jnp.dot(g_ref[...], w1_ref[...], preferred_element_type=jnp.float32)
        + b1_ref[...]
    )
    h1 = jnp.maximum(z, 0.0)
    p = jnp.dot(h1, w2_ref[...], preferred_element_type=jnp.float32) + b2_ref[...]
    out_ref[...] = 1.0 / (1.0 + jnp.exp(-p))


def _tc_mlp(g, w1_eff, b_eff, w2t, b2):
    return pl.pallas_call(
        _mlp_body,
        grid=(_B // _TB,),
        in_specs=[
            pl.BlockSpec((_TB, _GCOLS), lambda i: (i, 0)),
            pl.BlockSpec((_GCOLS, _HIDDEN), lambda i: (0, 0)),
            pl.BlockSpec((1, _HIDDEN), lambda i: (0, 0)),
            pl.BlockSpec((_HIDDEN, 1), lambda i: (0, 0)),
            pl.BlockSpec((1, 1), lambda i: (0, 0)),
        ],
        out_specs=pl.BlockSpec((_TB, 1), lambda i: (i, 0)),
        out_shape=jax.ShapeDtypeStruct((_B, 1), jnp.float32),
    )(g, w1_eff, b_eff, w2t, b2)


def kernel(inputs, tables, W_meta, b_meta, W1, b1, W2, b2):
    w1a = W1[:, :_DIM]
    w1_eff = W1[:, _DIM:].T
    mpool = jnp.repeat(
        jnp.eye(_NMETA, dtype=jnp.float32), _DIM, axis=0
    ) / _DIM
    fold = mpool @ W_meta.T @ w1a.T
    w1_eff = w1_eff.at[: _NMETA * _DIM].add(fold)
    b_eff = (b1 + b_meta @ w1a.T)[None, :]
    w2t = W2.T
    b2r = b2[None, :]

    g = _sc_gather(inputs, tables)
    return _tc_mlp(g, w1_eff, b_eff, w2t, b2r)

# --- scband reference (transcript-rebuilt; emitter-appended) ---
"""Pipeline reference for scband-meta-network-59803124630216 (READ-ONLY COPY).

The authoritative reference and input builder live on the scoring server;
editing this copy changes nothing except your own understanding.
"""

import jax, jax.numpy as jnp
import numpy as np

VOCAB = 100000
DIM = 16
B = 16384
F = 26
TARGET_IDXS = [0]
META_IDXS = [1, 2, 3, 4]
OTHER_IDXS = [i for i in range(F) if i not in TARGET_IDXS]
HIDDEN = 64
INPUT_DIM = F * DIM  # 416


def setup_inputs(seed: int = 0) -> dict:
    key = jax.random.key(seed)
    ks = jax.random.split(key, 8)
    inputs = jax.random.randint(ks[0], (B, F), 0, VOCAB, dtype=jnp.int32)
    tables = jax.random.normal(ks[1], (F, VOCAB, DIM), dtype=jnp.float32) * 0.02
    # meta linear layer for the single target index (in=len(META_IDXS)=4, out=DIM=16)
    W_meta = jax.random.normal(ks[2], (DIM, len(META_IDXS)), dtype=jnp.float32) * 0.1
    b_meta = jnp.zeros((DIM,), dtype=jnp.float32)
    # frozen predictor: Linear(416->64), ReLU, Linear(64->1), Sigmoid
    W1 = jax.random.normal(ks[3], (HIDDEN, INPUT_DIM), dtype=jnp.float32) * 0.05
    b1 = jnp.zeros((HIDDEN,), dtype=jnp.float32)
    W2 = jax.random.normal(ks[4], (1, HIDDEN), dtype=jnp.float32) * 0.05
    b2 = jnp.zeros((1,), dtype=jnp.float32)
    return {"inputs": inputs, "tables": tables, "W_meta": W_meta, "b_meta": b_meta,
            "W1": W1, "b1": b1, "W2": W2, "b2": b2}


def reference(inputs, tables, W_meta, b_meta, W1, b1, W2, b2):
    # embeddings for non-target fields (gathers)
    embeddings = [jnp.take(tables[i], inputs[:, i], axis=0) for i in OTHER_IDXS]
    # meta feature embeddings (gathers)
    meta_feature_embeddings = [jnp.take(tables[i], inputs[:, i], axis=0) for i in META_IDXS]
    meta_vec = jnp.concatenate(
        [jnp.mean(e, axis=1, keepdims=True) for e in meta_feature_embeddings], axis=1)  # [B, 4]
    # one meta linear layer per target idx (here one)
    meta_embeddings = meta_vec @ W_meta.T + b_meta  # [B, DIM]
    h = jnp.concatenate([meta_embeddings] + embeddings, axis=1)  # [B, 416]
    h1 = jax.nn.relu(h @ W1.T + b1)
    p = jax.nn.sigmoid(h1 @ W2.T + b2)
    return p

if __name__ == "__main__":
    import jax
    _d = setup_inputs()
    print(jax.jit(kernel)(*tuple(_d.values())))

</pallas_src>

<mosaic_0001>
#map = affine_map<(d0, d1) -> (0, 0)>
#map1 = affine_map<(d0, d1) -> (0, 0, 0)>
module attributes {stable_mosaic.version = 14 : i64} {
  func.func @k(%arg0: i32, %arg1: i32, %arg2: memref<16384x26xi32, #tpu.memory_space<hbm>>, %arg3: memref<26x100000x16xf32, #tpu.memory_space<hbm>>, %arg4: memref<16384x400xf32, #tpu.memory_space<hbm>>, %arg5: memref<512x26xi32, #tpu.memory_space<vmem>>, %arg6: memref<512xi32, #tpu.memory_space<vmem>>, %arg7: memref<512x16xf32, #tpu.memory_space<vmem>>, %arg8: memref<!tpu.dma_semaphore, #tpu.memory_space<semaphore_mem>>) attributes {dimension_semantics = [#tpu.dimension_semantics<core_parallel>, #tpu.dimension_semantics<subcore_parallel>], iteration_bounds = array<i64: 2, 16>, scalar_prefetch = 0 : i64, scratch_operands = 4 : i64, tpu.core_type = #tpu.core_type<sc_vector_subcore>, window_params = [{transform_indices = #map}, {transform_indices = #map1}, {transform_indices = #map}]} {
    %mul3A = arith.constant 2 : i32
    %mul3A_0 = arith.muli %arg1, %mul3A : i32
    %add3A = arith.addi %mul3A_0, %arg0 : i32
    %mul3A_1 = arith.constant 512 : i32
    %mul3A_2 = arith.muli %add3A, %mul3A_1 : i32
    "tpu.region"() ({
      %run_scoped3A = tpu.sem_alloc : memref<!tpu.dma_semaphore, #tpu.memory_space<semaphore_mem>>
      %dma_start3A = arith.constant 0 : i32
      %dma_start3A_7 = tpu.memref_slice %arg2[%mul3A_2, %dma_start3A] : memref<16384x26xi32, #tpu.memory_space<hbm>> -> memref<512x26xi32, #tpu.memory_space<hbm>>
      %dma_start3A_8 = arith.constant 0 : i32
      %dma_start3A_9 = tpu.memref_slice %arg2[%mul3A_2, %dma_start3A_8] : memref<16384x26xi32, #tpu.memory_space<hbm>> -> memref<512x26xi32, #tpu.memory_space<hbm>>
      tpu.enqueue_dma source(%dma_start3A_9 : memref<512x26xi32, #tpu.memory_space<hbm>>) target(%arg5 : memref<512x26xi32, #tpu.memory_space<vmem>>) target_semaphore(%run_scoped3A : memref<!tpu.dma_semaphore, #tpu.memory_space<semaphore_mem>>)
      %dma_wait3A = arith.constant 0 : i32
      %dma_wait3A_10 = tpu.memref_slice %arg2[%mul3A_2, %dma_wait3A] : memref<16384x26xi32, #tpu.memory_space<hbm>> -> memref<512x26xi32, #tpu.memory_space<hbm>>
      %dma_wait3A_11 = arith.constant 0 : i32
      %dma_wait3A_12 = tpu.memref_slice %arg2[%mul3A_2, %dma_wait3A_11] : memref<16384x26xi32, #tpu.memory_space<hbm>> -> memref<512x26xi32, #tpu.memory_space<hbm>>
      tpu.wait_dma2 semaphore(%run_scoped3A : memref<!tpu.dma_semaphore, #tpu.memory_space<semaphore_mem>>) src(%dma_wait3A_12 : memref<512x26xi32, #tpu.memory_space<hbm>>) dst(%arg5 : memref<512x26xi32, #tpu.memory_space<vmem>>)
      tpu.yield
    }) : () -> ()
    %scan3A = arith.constant 0 : i32
    %scan3A_3 = arith.constant 25 : i32
    %scan3A_4 = arith.addi %scan3A, %scan3A_3 : i32
    %scan3A_5 = arith.constant 1 : i32
    scf.for %scan3A_7 = %scan3A to %scan3A_4 step %scan3A_5  : i32 {
      %mul3A_8 = arith.constant 1 : i32
      %mul3A_9 = arith.muli %scan3A_7, %mul3A_8 : i32
      %add3A_10 = arith.constant 0 : i32
      %add3A_11 = arith.addi %add3A_10, %mul3A_9 : i32
      %add3A_12 = arith.constant 1 : i32
      %add3A_13 = arith.addi %add3A_11, %add3A_12 : i32
      %broadcast_in_dim3A = vector.broadcast %add3A_13 : i32 to vector<16xi32>
      %iota3A = tpu.iota {dimensions = array<i32: 0>} : vector<16xi32>
      %add3A_14 = arith.constant 0 : i32
      %add3A_15 = vector.broadcast %add3A_14 : i32 to vector<16xi32>
      %add3A_16 = arith.addi %iota3A, %add3A_15 : vector<16xi32>
      %gather3A = tpu.vector_load_idx %arg5[%add3A_16, %broadcast_in_dim3A] : memref<512x26xi32, #tpu.memory_space<vmem>>[vector<16xi32>, vector<16xi32>], vector<16xi32>,
      %swap3A = arith.constant 0 : index
      %swap3A_17 = tpu.vector_load %arg6[%swap3A] {strides = array<i32>} : memref<512xi32, #tpu.memory_space<vmem>>, vector<16xi32>,
      tpu.vector_store %arg6[%swap3A], %gather3A {strides = array<i32>} : memref<512xi32, #tpu.memory_space<vmem>>, vector<16xi32>,
      %iota3A_18 = tpu.iota {dimensions = array<i32: 0>} : vector<16xi32>
      %add3A_19 = arith.constant 16 : i32
      %add3A_20 = vector.broadcast %add3A_19 : i32 to vector<16xi32>
      %add3A_21 = arith.addi %iota3A_18, %add3A_20 : vector<16xi32>
      %gather3A_22 = tpu.vector_load_idx %arg5[%add3A_21, %broadcast_in_dim3A] : memref<512x26xi32, #tpu.memory_space<vmem>>[vector<16xi32>, vector<16xi32>], vector<16xi32>,
      %swap3A_23 = arith.constant 16 : index
      %swap3A_24 = tpu.vector_load %arg6[%swap3A_23] {strides = array<i32>} : memref<512xi32, #tpu.memory_space<vmem>>, vector<16xi32>,
      tpu.vector_store %arg6[%swap3A_23], %gather3A_22 {strides = array<i32>} : memref<512xi32, #tpu.memory_space<vmem>>, vector<16xi32>,
      %iota3A_25 = tpu.iota {dimensions = array<i32: 0>} : vector<16xi32>
      %add3A_26 = arith.constant 32 : i32
      %add3A_27 = vector.broadcast %add3A_26 : i32 to vector<16xi32>
      %add3A_28 = arith.addi %iota3A_25, %add3A_27 : vector<16xi32>
      %gather3A_29 = tpu.vector_load_idx %arg5[%add3A_28, %broadcast_in_dim3A] : memref<512x26xi32, #tpu.memory_space<vmem>>[vector<16xi32>, vector<16xi32>], vector<16xi32>,
      %swap3A_30 = arith.constant 32 : index
      %swap3A_31 = tpu.vector_load %arg6[%swap3A_30] {strides = array<i32>} : memref<512xi32, #tpu.memory_space<vmem>>, vector<16xi32>,
      tpu.vector_store %arg6[%swap3A_30], %gather3A_29 {strides = array<i32>} : memref<512xi32, #tpu.memory_space<vmem>>, vector<16xi32>,
      %iota3A_32 = tpu.iota {dimensions = array<i32: 0>} : vector<16xi32>
      %add3A_33 = arith.constant 48 : i32
      %add3A_34 = vector.broadcast %add3A_33 : i32 to vector<16xi32>
      %add3A_35 = arith.addi %iota3A_32, %add3A_34 : vector<16xi32>
      %gather3A_36 = tpu.vector_load_idx %arg5[%add3A_35, %broadcast_in_dim3A] : memref<512x26xi32, #tpu.memory_space<vmem>>[vector<16xi32>, vector<16xi32>], vector<16xi32>,
      %swap3A_37 = arith.constant 48 : index
      %swap3A_38 = tpu.vector_load %arg6[%swap3A_37] {strides = array<i32>} : memref<512xi32, #tpu.memory_space<vmem>>, vector<16xi32>,
      tpu.vector_store %arg6[%swap3A_37], %gather3A_36 {strides = array<i32>} : memref<512xi32, #tpu.memory_space<vmem>>, vector<16xi32>,
      %iota3A_39 = tpu.iota {dimensions = array<i32: 0>} : vector<16xi32>
      %add3A_40 = arith.constant 64 : i32
      %add3A_41 = vector.broadcast %add3A_40 : i32 to vector<16xi32>
      %add3A_42 = arith.addi %iota3A_39, %add3A_41 : vector<16xi32>
      %gather3A_43 = tpu.vector_load_idx %arg5[%add3A_42, %broadcast_in_dim3A] : memref<512x26xi32, #tpu.memory_space<vmem>>[vector<16xi32>, vector<16xi32>], vector<16xi32>,
      %swap3A_44 = arith.constant 64 : index
      %swap3A_45 = tpu.vector_load %arg6[%swap3A_44] {strides = array<i32>} : memref<512xi32, #tpu.memory_space<vmem>>, vector<16xi32>,
      tpu.vector_store %arg6[%swap3A_44], %gather3A_43 {strides = array<i32>} : memref<512xi32, #tpu.memory_space<vmem>>, vector<16xi32>,
      %iota3A_46 = tpu.iota {dimensions = array<i32: 0>} : vector<16xi32>
      %add3A_47 = arith.constant 80 : i32
      %add3A_48 = vector.broadcast %add3A_47 : i32 to vector<16xi32>
      %add3A_49 = arith.addi %iota3A_46, %add3A_48 : vector<16xi32>
      %gather3A_50 = tpu.vector_load_idx %arg5[%add3A_49, %broadcast_in_dim3A] : memref<512x26xi32, #tpu.memory_space<vmem>>[vector<16xi32>, vector<16xi32>], vector<16xi32>,
      %swap3A_51 = arith.constant 80 : index
      %swap3A_52 = tpu.vector_load %arg6[%swap3A_51] {strides = array<i32>} : memref<512xi32, #tpu.memory_space<vmem>>, vector<16xi32>,
      tpu.vector_store %arg6[%swap3A_51], %gather3A_50 {strides = array<i32>} : memref<512xi32, #tpu.memory_space<vmem>>, vector<16xi32>,
      %iota3A_53 = tpu.iota {dimensions = array<i32: 0>} : vector<16xi32>
      %add3A_54 = arith.constant 96 : i32
      %add3A_55 = vector.broadcast %add3A_54 : i32 to vector<16xi32>
      %add3A_56 = arith.addi %iota3A_53, %add3A_55 : vector<16xi32>
      %gather3A_57 = tpu.vector_load_idx %arg5[%add3A_56, %broadcast_in_dim3A] : memref<512x26xi32, #tpu.memory_space<vmem>>[vector<16xi32>, vector<16xi32>], vector<16xi32>,
      %swap3A_58 = arith.constant 96 : index
      %swap3A_59 = tpu.vector_load %arg6[%swap3A_58] {strides = array<i32>} : memref<512xi32, #tpu.memory_space<vmem>>, vector<16xi32>,
      tpu.vector_store %arg6[%swap3A_58], %gather3A_57 {strides = array<i32>} : memref<512xi32, #tpu.memory_space<vmem>>, vector<16xi32>,
      %iota3A_60 = tpu.iota {dimensions = array<i32: 0>} : vector<16xi32>
      %add3A_61 = arith.constant 112 : i32
      %add3A_62 = vector.broadcast %add3A_61 : i32 to vector<16xi32>
      %add3A_63 = arith.addi %iota3A_60, %add3A_62 : vector<16xi32>
      %gather3A_64 = tpu.vector_load_idx %arg5[%add3A_63, %broadcast_in_dim3A] : memref<512x26xi32, #tpu.memory_space<vmem>>[vector<16xi32>, vector<16xi32>], vector<16xi32>,
      %swap3A_65 = arith.constant 112 : index
      %swap3A_66 = tpu.vector_load %arg6[%swap3A_65] {strides = array<i32>} : memref<512xi32, #tpu.memory_space<vmem>>, vector<16xi32>,
      tpu.vector_store %arg6[%swap3A_65], %gather3A_64 {strides = array<i32>} : memref<512xi32, #tpu.memory_space<vmem>>, vector<16xi32>,
      %iota3A_67 = tpu.iota {dimensions = array<i32: 0>} : vector<16xi32>
      %add3A_68 = arith.constant 128 : i32
      %add3A_69 = vector.broadcast %add3A_68 : i32 to vector<16xi32>
      %add3A_70 = arith.addi %iota3A_67, %add3A_69 : vector<16xi32>
      %gather3A_71 = tpu.vector_load_idx %arg5[%add3A_70, %broadcast_in_dim3A] : memref<512x26xi32, #tpu.memory_space<vmem>>[vector<16xi32>, vector<16xi32>], vector<16xi32>,
      %swap3A_72 = arith.constant 128 : index
      %swap3A_73 = tpu.vector_load %arg6[%swap3A_72] {strides = array<i32>} : memref<512xi32, #tpu.memory_space<vmem>>, vector<16xi32>,
      tpu.vector_store %arg6[%swap3A_72], %gather3A_71 {strides = array<i32>} : memref<512xi32, #tpu.memory_space<vmem>>, vector<16xi32>,
      %iota3A_74 = tpu.iota {dimensions = array<i32: 0>} : vector<16xi32>
      %add3A_75 = arith.constant 144 : i32
      %add3A_76 = vector.broadcast %add3A_75 : i32 to vector<16xi32>
      %add3A_77 = arith.addi %iota3A_74, %add3A_76 : vector<16xi32>
      %gather3A_78 = tpu.vector_load_idx %arg5[%add3A_77, %broadcast_in_dim3A] : memref<512x26xi32, #tpu.memory_space<vmem>>[vector<16xi32>, vector<16xi32>], vector<16xi32>,
      %swap3A_79 = arith.constant 144 : index
      %swap3A_80 = tpu.vector_load %arg6[%swap3A_79] {strides = array<i32>} : memref<512xi32, #tpu.memory_space<vmem>>, vector<16xi32>,
      tpu.vector_store %arg6[%swap3A_79], %gather3A_78 {strides = array<i32>} : memref<512xi32, #tpu.memory_space<vmem>>, vector<16xi32>,
      %iota3A_81 = tpu.iota {dimensions = array<i32: 0>} : vector<16xi32>
      %add3A_82 = arith.constant 160 : i32
      %add3A_83 = vector.broadcast %add3A_82 : i32 to vector<16xi32>
      %add3A_84 = arith.addi %iota3A_81, %add3A_83 : vector<16xi32>
      %gather3A_85 = tpu.vector_load_idx %arg5[%add3A_84, %broadcast_in_dim3A] : memref<512x26xi32, #tpu.memory_space<vmem>>[vector<16xi32>, vector<16xi32>], vector<16xi32>,
      %swap3A_86 = arith.constant 160 : index
      %swap3A_87 = tpu.vector_load %arg6[%swap3A_86] {strides = array<i32>} : memref<512xi32, #tpu.memory_space<vmem>>, vector<16xi32>,
      tpu.vector_store %arg6[%swap3A_86], %gather3A_85 {strides = array<i32>} : memref<512xi32, #tpu.memory_space<vmem>>, vector<16xi32>,
      %iota3A_88 = tpu.iota {dimensions = array<i32: 0>} : vector<16xi32>
      %add3A_89 = arith.constant 176 : i32
      %add3A_90 = vector.broadcast %add3A_89 : i32 to vector<16xi32>
      %add3A_91 = arith.addi %iota3A_88, %add3A_90 : vector<16xi32>
      %gather3A_92 = tpu.vector_load_idx %arg5[%add3A_91, %broadcast_in_dim3A] : memref<512x26xi32, #tpu.memory_space<vmem>>[vector<16xi32>, vector<16xi32>], vector<16xi32>,
      %swap3A_93 = arith.constant 176 : index
      %swap3A_94 = tpu.vector_load %arg6[%swap3A_93] {strides = array<i32>} : memref<512xi32, #tpu.memory_space<vmem>>, vector<16xi32>,
      tpu.vector_store %arg6[%swap3A_93], %gather3A_92 {strides = array<i32>} : memref<512xi32, #tpu.memory_space<vmem>>, vector<16xi32>,
      %iota3A_95 = tpu.iota {dimensions = array<i32: 0>} : vector<16xi32>
      %add3A_96 = arith.constant 192 : i32
      %add3A_97 = vector.broadcast %add3A_96 : i32 to vector<16xi32>
      %add3A_98 = arith.addi %iota3A_95, %add3A_97 : vector<16xi32>
      %gather3A_99 = tpu.vector_load_idx %arg5[%add3A_98, %broadcast_in_dim3A] : memref<512x26xi32, #tpu.memory_space<vmem>>[vector<16xi32>, vector<16xi32>], vector<16xi32>,
      %swap3A_100 = arith.constant 192 : index
      %swap3A_101 = tpu.vector_load %arg6[%swap3A_100] {strides = array<i32>} : memref<512xi32, #tpu.memory_space<vmem>>, vector<16xi32>,
      tpu.vector_store %arg6[%swap3A_100], %gather3A_99 {strides = array<i32>} : memref<512xi32, #tpu.memory_space<vmem>>, vector<16xi32>,
      %iota3A_102 = tpu.iota {dimensions = array<i32: 0>} : vector<16xi32>
      %add3A_103 = arith.constant 208 : i32
      %add3A_104 = vector.broadcast %add3A_103 : i32 to vector<16xi32>
      %add3A_105 = arith.addi %iota3A_102, %add3A_104 : vector<16xi32>
      %gather3A_106 = tpu.vector_load_idx %arg5[%add3A_105, %broadcast_in_dim3A] : memref<512x26xi32, #tpu.memory_space<vmem>>[vector<16xi32>, vector<16xi32>], vector<16xi32>,
      %swap3A_107 = arith.constant 208 : index
      %swap3A_108 = tpu.vector_load %arg6[%swap3A_107] {strides = array<i32>} : memref<512xi32, #tpu.memory_space<vmem>>, vector<16xi32>,
      tpu.vector_store %arg6[%swap3A_107], %gather3A_106 {strides = array<i32>} : memref<512xi32, #tpu.memory_space<vmem>>, vector<16xi32>,
      %iota3A_109 = tpu.iota {dimensions = array<i32: 0>} : vector<16xi32>
      %add3A_110 = arith.constant 224 : i32
      %add3A_111 = vector.broadcast %add3A_110 : i32 to vector<16xi32>
      %add3A_112 = arith.addi %iota3A_109, %add3A_111 : vector<16xi32>
      %gather3A_113 = tpu.vector_load_idx %arg5[%add3A_112, %broadcast_in_dim3A] : memref<512x26xi32, #tpu.memory_space<vmem>>[vector<16xi32>, vector<16xi32>], vector<16xi32>,
      %swap3A_114 = arith.constant 224 : index
      %swap3A_115 = tpu.vector_load %arg6[%swap3A_114] {strides = array<i32>} : memref<512xi32, #tpu.memory_space<vmem>>, vector<16xi32>,
      tpu.vector_store %arg6[%swap3A_114], %gather3A_113 {strides = array<i32>} : memref<512xi32, #tpu.memory_space<vmem>>, vector<16xi32>,
      %iota3A_116 = tpu.iota {dimensions = array<i32: 0>} : vector<16xi32>
      %add3A_117 = arith.constant 240 : i32
      %add3A_118 = vector.broadcast %add3A_117 : i32 to vector<16xi32>
      %add3A_119 = arith.addi %iota3A_116, %add3A_118 : vector<16xi32>
      %gather3A_120 = tpu.vector_load_idx %arg5[%add3A_119, %broadcast_in_dim3A] : memref<512x26xi32, #tpu.memory_space<vmem>>[vector<16xi32>, vector<16xi32>], vector<16xi32>,
      %swap3A_121 = arith.constant 240 : index
      %swap3A_122 = tpu.vector_load %arg6[%swap3A_121] {strides = array<i32>} : memref<512xi32, #tpu.memory_space<vmem>>, vector<16xi32>,
      tpu.vector_store %arg6[%swap3A_121], %gather3A_120 {strides = array<i32>} : memref<512xi32, #tpu.memory_space<vmem>>, vector<16xi32>,
      %iota3A_123 = tpu.iota {dimensions = array<i32: 0>} : vector<16xi32>
      %add3A_124 = arith.constant 256 : i32
      %add3A_125 = vector.broadcast %add3A_124 : i32 to vector<16xi32>
      %add3A_126 = arith.addi %iota3A_123, %add3A_125 : vector<16xi32>
      %gather3A_127 = tpu.vector_load_idx %arg5[%add3A_126, %broadcast_in_dim3A] : memref<512x26xi32, #tpu.memory_space<vmem>>[vector<16xi32>, vector<16xi32>], vector<16xi32>,
      %swap3A_128 = arith.constant 256 : index
      %swap3A_129 = tpu.vector_load %arg6[%swap3A_128] {strides = array<i32>} : memref<512xi32, #tpu.memory_space<vmem>>, vector<16xi32>,
      tpu.vector_store %arg6[%swap3A_128], %gather3A_127 {strides = array<i32>} : memref<512xi32, #tpu.memory_space<vmem>>, vector<16xi32>,
      %iota3A_130 = tpu.iota {dimensions = array<i32: 0>} : vector<16xi32>
      %add3A_131 = arith.constant 272 : i32
      %add3A_132 = vector.broadcast %add3A_131 : i32 to vector<16xi32>
      %add3A_133 = arith.addi %iota3A_130, %add3A_132 : vector<16xi32>
      %gather3A_134 = tpu.vector_load_idx %arg5[%add3A_133, %broadcast_in_dim3A] : memref<512x26xi32, #tpu.memory_space<vmem>>[vector<16xi32>, vector<16xi32>], vector<16xi32>,
      %swap3A_135 = arith.constant 272 : index
      %swap3A_136 = tpu.vector_load %arg6[%swap3A_135] {strides = array<i32>} : memref<512xi32, #tpu.memory_space<vmem>>, vector<16xi32>,
      tpu.vector_store %arg6[%swap3A_135], %gather3A_134 {strides = array<i32>} : memref<512xi32, #tpu.memory_space<vmem>>, vector<16xi32>,
      %iota3A_137 = tpu.iota {dimensions = array<i32: 0>} : vector<16xi32>
      %add3A_138 = arith.constant 288 : i32
      %add3A_139 = vector.broadcast %add3A_138 : i32 to vector<16xi32>
      %add3A_140 = arith.addi %iota3A_137, %add3A_139 : vector<16xi32>
      %gather3A_141 = tpu.vector_load_idx %arg5[%add3A_140, %broadcast_in_dim3A] : memref<512x26xi32, #tpu.memory_space<vmem>>[vector<16xi32>, vector<16xi32>], vector<16xi32>,
      %swap3A_142 = arith.constant 288 : index
      %swap3A_143 = tpu.vector_load %arg6[%swap3A_142] {strides = array<i32>} : memref<512xi32, #tpu.memory_space<vmem>>, vector<16xi32>,
      tpu.vector_store %arg6[%swap3A_142], %gather3A_141 {strides = array<i32>} : memref<512xi32, #tpu.memory_space<vmem>>, vector<16xi32>,
      %iota3A_144 = tpu.iota {dimensions = array<i32: 0>} : vector<16xi32>
      %add3A_145 = arith.constant 304 : i32
      %add3A_146 = vector.broadcast %add3A_145 : i32 to vector<16xi32>
      %add3A_147 = arith.addi %iota3A_144, %add3A_146 : vector<16xi32>
      %gather3A_148 = tpu.vector_load_idx %arg5[%add3A_147, %broadcast_in_dim3A] : memref<512x26xi32, #tpu.memory_space<vmem>>[vector<16xi32>, vector<16xi32>], vector<16xi32>,
      %swap3A_149 = arith.constant 304 : index
      %swap3A_150 = tpu.vector_load %arg6[%swap3A_149] {strides = array<i32>} : memref<512xi32, #tpu.memory_space<vmem>>, vector<16xi32>,
      tpu.vector_store %arg6[%swap3A_149], %gather3A_148 {strides = array<i32>} : memref<512xi32, #tpu.memory_space<vmem>>, vector<16xi32>,
      %iota3A_151 = tpu.iota {dimensions = array<i32: 0>} : vector<16xi32>
      %add3A_152 = arith.constant 320 : i32
      %add3A_153 = vector.broadcast %add3A_152 : i32 to vector<16xi32>
      %add3A_154 = arith.addi %iota3A_151, %add3A_153 : vector<16xi32>
      %gather3A_155 = tpu.vector_load_idx %arg5[%add3A_154, %broadcast_in_dim3A] : memref<512x26xi32, #tpu.memory_space<vmem>>[vector<16xi32>, vector<16xi32>], vector<16xi32>,
      %swap3A_156 = arith.constant 320 : index
      %swap3A_157 = tpu.vector_load %arg6[%swap3A_156] {strides = array<i32>} : memref<512xi32, #tpu.memory_space<vmem>>, vector<16xi32>,
      tpu.vector_store %arg6[%swap3A_156], %gather3A_155 {strides = array<i32>} : memref<512xi32, #tpu.memory_space<vmem>>, vector<16xi32>,
      %iota3A_158 = tpu.iota {dimensions = array<i32: 0>} : vector<16xi32>
      %add3A_159 = arith.constant 336 : i32
      %add3A_160 = vector.broadcast %add3A_159 : i32 to vector<16xi32>
      %add3A_161 = arith.addi %iota3A_158, %add3A_160 : vector<16xi32>
      %gather3A_162 = tpu.vector_load_idx %arg5[%add3A_161, %broadcast_in_dim3A] : memref<512x26xi32, #tpu.memory_space<vmem>>[vector<16xi32>, vector<16xi32>], vector<16xi32>,
      %swap3A_163 = arith.constant 336 : index
      %swap3A_164 = tpu.vector_load %arg6[%swap3A_163] {strides = array<i32>} : memref<512xi32, #tpu.memory_space<vmem>>, vector<16xi32>,
      tpu.vector_store %arg6[%swap3A_163], %gather3A_162 {strides = array<i32>} : memref<512xi32, #tpu.memory_space<vmem>>, vector<16xi32>,
      %iota3A_165 = tpu.iota {dimensions = array<i32: 0>} : vector<16xi32>
      %add3A_166 = arith.constant 352 : i32
      %add3A_167 = vector.broadcast %add3A_166 : i32 to vector<16xi32>
      %add3A_168 = arith.addi %iota3A_165, %add3A_167 : vector<16xi32>
      %gather3A_169 = tpu.vector_load_idx %arg5[%add3A_168, %broadcast_in_dim3A] : memref<512x26xi32, #tpu.memory_space<vmem>>[vector<16xi32>, vector<16xi32>], vector<16xi32>,
      %swap3A_170 = arith.constant 352 : index
      %swap3A_171 = tpu.vector_load %arg6[%swap3A_170] {strides = array<i32>} : memref<512xi32, #tpu.memory_space<vmem>>, vector<16xi32>,
      tpu.vector_store %arg6[%swap3A_170], %gather3A_169 {strides = array<i32>} : memref<512xi32, #tpu.memory_space<vmem>>, vector<16xi32>,
      %iota3A_172 = tpu.iota {dimensions = array<i32: 0>} : vector<16xi32>
      %add3A_173 = arith.constant 368 : i32
      %add3A_174 = vector.broadcast %add3A_173 : i32 to vector<16xi32>
      %add3A_175 = arith.addi %iota3A_172, %add3A_174 : vector<16xi32>
      %gather3A_176 = tpu.vector_load_idx %arg5[%add3A_175, %broadcast_in_dim3A] : memref<512x26xi32, #tpu.memory_space<vmem>>[vector<16xi32>, vector<16xi32>], vector<16xi32>,
      %swap3A_177 = arith.constant 368 : index
      %swap3A_178 = tpu.vector_load %arg6[%swap3A_177] {strides = array<i32>} : memref<512xi32, #tpu.memory_space<vmem>>, vector<16xi32>,
      tpu.vector_store %arg6[%swap3A_177], %gather3A_176 {strides = array<i32>} : memref<512xi32, #tpu.memory_space<vmem>>, vector<16xi32>,
      %iota3A_179 = tpu.iota {dimensions = array<i32: 0>} : vector<16xi32>
      %add3A_180 = arith.constant 384 : i32
      %add3A_181 = vector.broadcast %add3A_180 : i32 to vector<16xi32>
      %add3A_182 = arith.addi %iota3A_179, %add3A_181 : vector<16xi32>
      %gather3A_183 = tpu.vector_load_idx %arg5[%add3A_182, %broadcast_in_dim3A] : memref<512x26xi32, #tpu.memory_space<vmem>>[vector<16xi32>, vector<16xi32>], vector<16xi32>,
      %swap3A_184 = arith.constant 384 : index
      %swap3A_185 = tpu.vector_load %arg6[%swap3A_184] {strides = array<i32>} : memref<512xi32, #tpu.memory_space<vmem>>, vector<16xi32>,
      tpu.vector_store %arg6[%swap3A_184], %gather3A_183 {strides = array<i32>} : memref<512xi32, #tpu.memory_space<vmem>>, vector<16xi32>,
      %iota3A_186 = tpu.iota {dimensions = array<i32: 0>} : vector<16xi32>
      %add3A_187 = arith.constant 400 : i32
      %add3A_188 = vector.broadcast %add3A_187 : i32 to vector<16xi32>
      %add3A_189 = arith.addi %iota3A_186, %add3A_188 : vector<16xi32>
      %gather3A_190 = tpu.vector_load_idx %arg5[%add3A_189, %broadcast_in_dim3A] : memref<512x26xi32, #tpu.memory_space<vmem>>[vector<16xi32>, vector<16xi32>], vector<16xi32>,
      %swap3A_191 = arith.constant 400 : index
      %swap3A_192 = tpu.vector_load %arg6[%swap3A_191] {strides = array<i32>} : memref<512xi32, #tpu.memory_space<vmem>>, vector<16xi32>,
      tpu.vector_store %arg6[%swap3A_191], %gather3A_190 {strides = array<i32>} : memref<512xi32, #tpu.memory_space<vmem>>, vector<16xi32>,
      %iota3A_193 = tpu.iota {dimensions = array<i32: 0>} : vector<16xi32>
      %add3A_194 = arith.constant 416 : i32
      %add3A_195 = vector.broadcast %add3A_194 : i32 to vector<16xi32>
      %add3A_196 = arith.addi %iota3A_193, %add3A_195 : vector<16xi32>
      %gather3A_197 = tpu.vector_load_idx %arg5[%add3A_196, %broadcast_in_dim3A] : memref<512x26xi32, #tpu.memory_space<vmem>>[vector<16xi32>, vector<16xi32>], vector<16xi32>,
      %swap3A_198 = arith.constant 416 : index
      %swap3A_199 = tpu.vector_load %arg6[%swap3A_198] {strides = array<i32>} : memref<512xi32, #tpu.memory_space<vmem>>, vector<16xi32>,
      tpu.vector_store %arg6[%swap3A_198], %gather3A_197 {strides = array<i32>} : memref<512xi32, #tpu.memory_space<vmem>>, vector<16xi32>,
      %iota3A_200 = tpu.iota {dimensions = array<i32: 0>} : vector<16xi32>
      %add3A_201 = arith.constant 432 : i32
      %add3A_202 = vector.broadcast %add3A_201 : i32 to vector<16xi32>
      %add3A_203 = arith.addi %iota3A_200, %add3A_202 : vector<16xi32>
      %gather3A_204 = tpu.vector_load_idx %arg5[%add3A_203, %broadcast_in_dim3A] : memref<512x26xi32, #tpu.memory_space<vmem>>[vector<16xi32>, vector<16xi32>], vector<16xi32>,
      %swap3A_205 = arith.constant 432 : index
      %swap3A_206 = tpu.vector_load %arg6[%swap3A_205] {strides = array<i32>} : memref<512xi32, #tpu.memory_space<vmem>>, vector<16xi32>,
      tpu.vector_store %arg6[%swap3A_205], %gather3A_204 {strides = array<i32>} : memref<512xi32, #tpu.memory_space<vmem>>, vector<16xi32>,
      %iota3A_207 = tpu.iota {dimensions = array<i32: 0>} : vector<16xi32>
      %add3A_208 = arith.constant 448 : i32
      %add3A_209 = vector.broadcast %add3A_208 : i32 to vector<16xi32>
      %add3A_210 = arith.addi %iota3A_207, %add3A_209 : vector<16xi32>
      %gather3A_211 = tpu.vector_load_idx %arg5[%add3A_210, %broadcast_in_dim3A] : memref<512x26xi32, #tpu.memory_space<vmem>>[vector<16xi32>, vector<16xi32>], vector<16xi32>,
      %swap3A_212 = arith.constant 448 : index
      %swap3A_213 = tpu.vector_load %arg6[%swap3A_212] {strides = array<i32>} : memref<512xi32, #tpu.memory_space<vmem>>, vector<16xi32>,
      tpu.vector_store %arg6[%swap3A_212], %gather3A_211 {strides = array<i32>} : memref<512xi32, #tpu.memory_space<vmem>>, vector<16xi32>,
      %iota3A_214 = tpu.iota {dimensions = array<i32: 0>} : vector<16xi32>
      %add3A_215 = arith.constant 464 : i32
      %add3A_216 = vector.broadcast %add3A_215 : i32 to vector<16xi32>
      %add3A_217 = arith.addi %iota3A_214, %add3A_216 : vector<16xi32>
      %gather3A_218 = tpu.vector_load_idx %arg5[%add3A_217, %broadcast_in_dim3A] : memref<512x26xi32, #tpu.memory_space<vmem>>[vector<16xi32>, vector<16xi32>], vector<16xi32>,
      %swap3A_219 = arith.constant 464 : index
      %swap3A_220 = tpu.vector_load %arg6[%swap3A_219] {strides = array<i32>} : memref<512xi32, #tpu.memory_space<vmem>>, vector<16xi32>,
      tpu.vector_store %arg6[%swap3A_219], %gather3A_218 {strides = array<i32>} : memref<512xi32, #tpu.memory_space<vmem>>, vector<16xi32>,
      %iota3A_221 = tpu.iota {dimensions = array<i32: 0>} : vector<16xi32>
      %add3A_222 = arith.constant 480 : i32
      %add3A_223 = vector.broadcast %add3A_222 : i32 to vector<16xi32>
      %add3A_224 = arith.addi %iota3A_221, %add3A_223 : vector<16xi32>
      %gather3A_225 = tpu.vector_load_idx %arg5[%add3A_224, %broadcast_in_dim3A] : memref<512x26xi32, #tpu.memory_space<vmem>>[vector<16xi32>, vector<16xi32>], vector<16xi32>,
      %swap3A_226 = arith.constant 480 : index
      %swap3A_227 = tpu.vector_load %arg6[%swap3A_226] {strides = array<i32>} : memref<512xi32, #tpu.memory_space<vmem>>, vector<16xi32>,
      tpu.vector_store %arg6[%swap3A_226], %gather3A_225 {strides = array<i32>} : memref<512xi32, #tpu.memory_space<vmem>>, vector<16xi32>,
      %iota3A_228 = tpu.iota {dimensions = array<i32: 0>} : vector<16xi32>
      %add3A_229 = arith.constant 496 : i32
      %add3A_230 = vector.broadcast %add3A_229 : i32 to vector<16xi32>
      %add3A_231 = arith.addi %iota3A_228, %add3A_230 : vector<16xi32>
      %gather3A_232 = tpu.vector_load_idx %arg5[%add3A_231, %broadcast_in_dim3A] : memref<512x26xi32, #tpu.memory_space<vmem>>[vector<16xi32>, vector<16xi32>], vector<16xi32>,
      %swap3A_233 = arith.constant 496 : index
      %swap3A_234 = tpu.vector_load %arg6[%swap3A_233] {strides = array<i32>} : memref<512xi32, #tpu.memory_space<vmem>>, vector<16xi32>,
      tpu.vector_store %arg6[%swap3A_233], %gather3A_232 {strides = array<i32>} : memref<512xi32, #tpu.memory_space<vmem>>, vector<16xi32>,
      %dma_start3A = arith.constant 0 : i32
      %dma_start3A_235 = arith.constant 0 : i32
      %dma_start3A_236 = tpu.memref_slice %arg7[%dma_start3A, %dma_start3A_235] : memref<512x16xf32, #tpu.memory_space<vmem>> -> memref<128x16xf32, #tpu.memory_space<vmem>>
      %dma_start3A_237 = arith.constant 0 : i32
      %dma_start3A_238 = tpu.memref_slice %arg6[%dma_start3A_237] : memref<512xi32, #tpu.memory_space<vmem>> -> memref<128xi32, #tpu.memory_space<vmem>>
      %dma_start3A_239 = arith.constant 0 : i32
      %dma_start3A_240 = arith.constant 0 : i32
      %dma_start3A_241 = tpu.memref_slice %arg3[%add3A_13, %dma_start3A_239, %dma_start3A_240] : memref<26x100000x16xf32, #tpu.memory_space<hbm>> -> memref<1x100000x16xf32, #tpu.memory_space<hbm>>
      %dma_start3A_242 = tpu.memref_squeeze %dma_start3A_241 : memref<1x100000x16xf32, #tpu.memory_space<hbm>> -> memref<100000x16xf32, #tpu.memory_space<hbm>>
      %dma_start3A_243 = arith.constant 0 : i32
      %dma_start3A_244 = arith.constant 0 : i32
      %dma_start3A_245 = tpu.memref_slice %dma_start3A_242[%dma_start3A_243, %dma_start3A_244] : memref<100000x16xf32, #tpu.memory_space<hbm>> -> memref<100000x16xf32, #tpu.memory_space<hbm>>
      tpu.enqueue_indirect_dma source(%dma_start3A_245 : memref<100000x16xf32, #tpu.memory_space<hbm>>) target(%dma_start3A_236 : memref<128x16xf32, #tpu.memory_space<vmem>>) offsets(%dma_start3A_238 : memref<128xi32, #tpu.memory_space<vmem>>) semaphore(%arg8 : memref<!tpu.dma_semaphore, #tpu.memory_space<semaphore_mem>>)
      %dma_start3A_246 = arith.constant 128 : i32
      %dma_start3A_247 = arith.constant 0 : i32
      %dma_start3A_248 = tpu.memref_slice %arg7[%dma_start3A_246, %dma_start3A_247] : memref<512x16xf32, #tpu.memory_space<vmem>> -> memref<128x16xf32, #tpu.memory_space<vmem>>
      %dma_start3A_249 = arith.constant 128 : i32
      %dma_start3A_250 = tpu.memref_slice %arg6[%dma_start3A_249] : memref<512xi32, #tpu.memory_space<vmem>> -> memref<128xi32, #tpu.memory_space<vmem>>
      %dma_start3A_251 = arith.constant 0 : i32
      %dma_start3A_252 = arith.constant 0 : i32
      %dma_start3A_253 = tpu.memref_slice %arg3[%add3A_13, %dma_start3A_251, %dma_start3A_252] : memref<26x100000x16xf32, #tpu.memory_space<hbm>> -> memref<1x100000x16xf32, #tpu.memory_space<hbm>>
      %dma_start3A_254 = tpu.memref_squeeze %dma_start3A_253 : memref<1x100000x16xf32, #tpu.memory_space<hbm>> -> memref<100000x16xf32, #tpu.memory_space<hbm>>
      %dma_start3A_255 = arith.constant 0 : i32
      %dma_start3A_256 = arith.constant 0 : i32
      %dma_start3A_257 = tpu.memref_slice %dma_start3A_254[%dma_start3A_255, %dma_start3A_256] : memref<100000x16xf32, #tpu.memory_space<hbm>> -> memref<100000x16xf32, #tpu.memory_space<hbm>>
      tpu.enqueue_indirect_dma source(%dma_start3A_257 : memref<100000x16xf32, #tpu.memory_space<hbm>>) target(%dma_start3A_248 : memref<128x16xf32, #tpu.memory_space<vmem>>) offsets(%dma_start3A_250 : memref<128xi32, #tpu.memory_space<vmem>>) semaphore(%arg8 : memref<!tpu.dma_semaphore, #tpu.memory_space<semaphore_mem>>)
      %dma_start3A_258 = arith.constant 256 : i32
      %dma_start3A_259 = arith.constant 0 : i32
      %dma_start3A_260 = tpu.memref_slice %arg7[%dma_start3A_258, %dma_start3A_259] : memref<512x16xf32, #tpu.memory_space<vmem>> -> memref<128x16xf32, #tpu.memory_space<vmem>>
      %dma_start3A_261 = arith.constant 256 : i32
      %dma_start3A_262 = tpu.memref_slice %arg6[%dma_start3A_261] : memref<512xi32, #tpu.memory_space<vmem>> -> memref<128xi32, #tpu.memory_space<vmem>>
      %dma_start3A_263 = arith.constant 0 : i32
      %dma_start3A_264 = arith.constant 0 : i32
      %dma_start3A_265 = tpu.memref_slice %arg3[%add3A_13, %dma_start3A_263, %dma_start3A_264] : memref<26x100000x16xf32, #tpu.memory_space<hbm>> -> memref<1x100000x16xf32, #tpu.memory_space<hbm>>
      %dma_start3A_266 = tpu.memref_squeeze %dma_start3A_265 : memref<1x100000x16xf32, #tpu.memory_space<hbm>> -> memref<100000x16xf32, #tpu.memory_space<hbm>>
      %dma_start3A_267 = arith.constant 0 : i32
      %dma_start3A_268 = arith.constant 0 : i32
      %dma_start3A_269 = tpu.memref_slice %dma_start3A_266[%dma_start3A_267, %dma_start3A_268] : memref<100000x16xf32, #tpu.memory_space<hbm>> -> memref<100000x16xf32, #tpu.memory_space<hbm>>
      tpu.enqueue_indirect_dma source(%dma_start3A_269 : memref<100000x16xf32, #tpu.memory_space<hbm>>) target(%dma_start3A_260 : memref<128x16xf32, #tpu.memory_space<vmem>>) offsets(%dma_start3A_262 : memref<128xi32, #tpu.memory_space<vmem>>) semaphore(%arg8 : memref<!tpu.dma_semaphore, #tpu.memory_space<semaphore_mem>>)
      %dma_start3A_270 = arith.constant 384 : i32
      %dma_start3A_271 = arith.constant 0 : i32
      %dma_start3A_272 = tpu.memref_slice %arg7[%dma_start3A_270, %dma_start3A_271] : memref<512x16xf32, #tpu.memory_space<vmem>> -> memref<128x16xf32, #tpu.memory_space<vmem>>
      %dma_start3A_273 = arith.constant 384 : i32
      %dma_start3A_274 = tpu.memref_slice %arg6[%dma_start3A_273] : memref<512xi32, #tpu.memory_space<vmem>> -> memref<128xi32, #tpu.memory_space<vmem>>
      %dma_start3A_275 = arith.constant 0 : i32
      %dma_start3A_276 = arith.constant 0 : i32
      %dma_start3A_277 = tpu.memref_slice %arg3[%add3A_13, %dma_start3A_275, %dma_start3A_276] : memref<26x100000x16xf32, #tpu.memory_space<hbm>> -> memref<1x100000x16xf32, #tpu.memory_space<hbm>>
      %dma_start3A_278 = tpu.memref_squeeze %dma_start3A_277 : memref<1x100000x16xf32, #tpu.memory_space<hbm>> -> memref<100000x16xf32, #tpu.memory_space<hbm>>
      %dma_start3A_279 = arith.constant 0 : i32
      %dma_start3A_280 = arith.constant 0 : i32
      %dma_start3A_281 = tpu.memref_slice %dma_start3A_278[%dma_start3A_279, %dma_start3A_280] : memref<100000x16xf32, #tpu.memory_space<hbm>> -> memref<100000x16xf32, #tpu.memory_space<hbm>>
      tpu.enqueue_indirect_dma source(%dma_start3A_281 : memref<100000x16xf32, #tpu.memory_space<hbm>>) target(%dma_start3A_272 : memref<128x16xf32, #tpu.memory_space<vmem>>) offsets(%dma_start3A_274 : memref<128xi32, #tpu.memory_space<vmem>>) semaphore(%arg8 : memref<!tpu.dma_semaphore, #tpu.memory_space<semaphore_mem>>)
      %dma_wait3A = arith.constant 0 : i32
      %dma_wait3A_282 = arith.constant 0 : i32
      %dma_wait3A_283 = tpu.memref_slice %arg7[%dma_wait3A, %dma_wait3A_282] : memref<512x16xf32, #tpu.memory_space<vmem>> -> memref<128x16xf32, #tpu.memory_space<vmem>>
      %dma_wait3A_284 = arith.constant 0 : i32
      %dma_wait3A_285 = tpu.memref_slice %arg6[%dma_wait3A_284] : memref<512xi32, #tpu.memory_space<vmem>> -> memref<128xi32, #tpu.memory_space<vmem>>
      %dma_wait3A_286 = arith.constant 0 : i32
      %dma_wait3A_287 = arith.constant 0 : i32
      %dma_wait3A_288 = tpu.memref_slice %arg3[%add3A_13, %dma_wait3A_286, %dma_wait3A_287] : memref<26x100000x16xf32, #tpu.memory_space<hbm>> -> memref<1x100000x16xf32, #tpu.memory_space<hbm>>
      %dma_wait3A_289 = tpu.memref_squeeze %dma_wait3A_288 : memref<1x100000x16xf32, #tpu.memory_space<hbm>> -> memref<100000x16xf32, #tpu.memory_space<hbm>>
      %dma_wait3A_290 = arith.constant 0 : i32
      %dma_wait3A_291 = arith.constant 0 : i32
      %dma_wait3A_292 = tpu.memref_slice %dma_wait3A_289[%dma_wait3A_290, %dma_wait3A_291] : memref<100000x16xf32, #tpu.memory_space<hbm>> -> memref<100000x16xf32, #tpu.memory_space<hbm>>
      tpu.wait_indirect_dma semaphore(%arg8 : memref<!tpu.dma_semaphore, #tpu.memory_space<semaphore_mem>>) src(%dma_wait3A_292 : memref<100000x16xf32, #tpu.memory_space<hbm>>) dst(%dma_wait3A_283 : memref<128x16xf32, #tpu.memory_space<vmem>>)
      %dma_wait3A_293 = arith.constant 128 : i32
      %dma_wait3A_294 = arith.constant 0 : i32
      %dma_wait3A_295 = tpu.memref_slice %arg7[%dma_wait3A_293, %dma_wait3A_294] : memref<512x16xf32, #tpu.memory_space<vmem>> -> memref<128x16xf32, #tpu.memory_space<vmem>>
      %dma_wait3A_296 = arith.constant 128 : i32
      %dma_wait3A_297 = tpu.memref_slice %arg6[%dma_wait3A_296] : memref<512xi32, #tpu.memory_space<vmem>> -> memref<128xi32, #tpu.memory_space<vmem>>
      %dma_wait3A_298 = arith.constant 0 : i32
      %dma_wait3A_299 = arith.constant 0 : i32
      %dma_wait3A_300 = tpu.memref_slice %arg3[%add3A_13, %dma_wait3A_298, %dma_wait3A_299] : memref<26x100000x16xf32, #tpu.memory_space<hbm>> -> memref<1x100000x16xf32, #tpu.memory_space<hbm>>
      %dma_wait3A_301 = tpu.memref_squeeze %dma_wait3A_300 : memref<1x100000x16xf32, #tpu.memory_space<hbm>> -> memref<100000x16xf32, #tpu.memory_space<hbm>>
      %dma_wait3A_302 = arith.constant 0 : i32
      %dma_wait3A_303 = arith.constant 0 : i32
      %dma_wait3A_304 = tpu.memref_slice %dma_wait3A_301[%dma_wait3A_302, %dma_wait3A_303] : memref<100000x16xf32, #tpu.memory_space<hbm>> -> memref<100000x16xf32, #tpu.memory_space<hbm>>
      tpu.wait_indirect_dma semaphore(%arg8 : memref<!tpu.dma_semaphore, #tpu.memory_space<semaphore_mem>>) src(%dma_wait3A_304 : memref<100000x16xf32, #tpu.memory_space<hbm>>) dst(%dma_wait3A_295 : memref<128x16xf32, #tpu.memory_space<vmem>>)
      %dma_wait3A_305 = arith.constant 256 : i32
      %dma_wait3A_306 = arith.constant 0 : i32
      %dma_wait3A_307 = tpu.memref_slice %arg7[%dma_wait3A_305, %dma_wait3A_306] : memref<512x16xf32, #tpu.memory_space<vmem>> -> memref<128x16xf32, #tpu.memory_space<vmem>>
      %dma_wait3A_308 = arith.constant 256 : i32
      %dma_wait3A_309 = tpu.memref_slice %arg6[%dma_wait3A_308] : memref<512xi32, #tpu.memory_space<vmem>> -> memref<128xi32, #tpu.memory_space<vmem>>
      %dma_wait3A_310 = arith.constant 0 : i32
      %dma_wait3A_311 = arith.constant 0 : i32
      %dma_wait3A_312 = tpu.memref_slice %arg3[%add3A_13, %dma_wait3A_310, %dma_wait3A_311] : memref<26x100000x16xf32, #tpu.memory_space<hbm>> -> memref<1x100000x16xf32, #tpu.memory_space<hbm>>
      %dma_wait3A_313 = tpu.memref_squeeze %dma_wait3A_312 : memref<1x100000x16xf32, #tpu.memory_space<hbm>> -> memref<100000x16xf32, #tpu.memory_space<hbm>>
      %dma_wait3A_314 = arith.constant 0 : i32
      %dma_wait3A_315 = arith.constant 0 : i32
      %dma_wait3A_316 = tpu.memref_slice %dma_wait3A_313[%dma_wait3A_314, %dma_wait3A_315] : memref<100000x16xf32, #tpu.memory_space<hbm>> -> memref<100000x16xf32, #tpu.memory_space<hbm>>
      tpu.wait_indirect_dma semaphore(%arg8 : memref<!tpu.dma_semaphore, #tpu.memory_space<semaphore_mem>>) src(%dma_wait3A_316 : memref<100000x16xf32, #tpu.memory_space<hbm>>) dst(%dma_wait3A_307 : memref<128x16xf32, #tpu.memory_space<vmem>>)
      %dma_wait3A_317 = arith.constant 384 : i32
      %dma_wait3A_318 = arith.constant 0 : i32
      %dma_wait3A_319 = tpu.memref_slice %arg7[%dma_wait3A_317, %dma_wait3A_318] : memref<512x16xf32, #tpu.memory_space<vmem>> -> memref<128x16xf32, #tpu.memory_space<vmem>>
      %dma_wait3A_320 = arith.constant 384 : i32
      %dma_wait3A_321 = tpu.memref_slice %arg6[%dma_wait3A_320] : memref<512xi32, #tpu.memory_space<vmem>> -> memref<128xi32, #tpu.memory_space<vmem>>
      %dma_wait3A_322 = arith.constant 0 : i32
      %dma_wait3A_323 = arith.constant 0 : i32
      %dma_wait3A_324 = tpu.memref_slice %arg3[%add3A_13, %dma_wait3A_322, %dma_wait3A_323] : memref<26x100000x16xf32, #tpu.memory_space<hbm>> -> memref<1x100000x16xf32, #tpu.memory_space<hbm>>
      %dma_wait3A_325 = tpu.memref_squeeze %dma_wait3A_324 : memref<1x100000x16xf32, #tpu.memory_space<hbm>> -> memref<100000x16xf32, #tpu.memory_space<hbm>>
      %dma_wait3A_326 = arith.constant 0 : i32
      %dma_wait3A_327 = arith.constant 0 : i32
      %dma_wait3A_328 = tpu.memref_slice %dma_wait3A_325[%dma_wait3A_326, %dma_wait3A_327] : memref<100000x16xf32, #tpu.memory_space<hbm>> -> memref<100000x16xf32, #tpu.memory_space<hbm>>
      tpu.wait_indirect_dma semaphore(%arg8 : memref<!tpu.dma_semaphore, #tpu.memory_space<semaphore_mem>>) src(%dma_wait3A_328 : memref<100000x16xf32, #tpu.memory_space<hbm>>) dst(%dma_wait3A_319 : memref<128x16xf32, #tpu.memory_space<vmem>>)
      %mul3A_329 = arith.constant 16 : i32
      %mul3A_330 = arith.muli %add3A_11, %mul3A_329 : i32
      "tpu.region"() ({
        %run_scoped3A = tpu.sem_alloc : memref<!tpu.dma_semaphore, #tpu.memory_space<semaphore_mem>>
        %dma_start3A_331 = tpu.memref_slice %arg4[%mul3A_2, %mul3A_330] : memref<16384x400xf32, #tpu.memory_space<hbm>> -> memref<512x16xf32, #tpu.memory_space<hbm>>
        %dma_start3A_332 = tpu.memref_slice %arg4[%mul3A_2, %mul3A_330] : memref<16384x400xf32, #tpu.memory_space<hbm>> -> memref<512x16xf32, #tpu.memory_space<hbm>>
        tpu.enqueue_dma source(%arg7 : memref<512x16xf32, #tpu.memory_space<vmem>>) target(%dma_start3A_332 : memref<512x16xf32, #tpu.memory_space<hbm>>) target_semaphore(%run_scoped3A : memref<!tpu.dma_semaphore, #tpu.memory_space<semaphore_mem>>)
        %dma_wait3A_333 = tpu.memref_slice %arg4[%mul3A_2, %mul3A_330] : memref<16384x400xf32, #tpu.memory_space<hbm>> -> memref<512x16xf32, #tpu.memory_space<hbm>>
        %dma_wait3A_334 = tpu.memref_slice %arg4[%mul3A_2, %mul3A_330] : memref<16384x400xf32, #tpu.memory_space<hbm>> -> memref<512x16xf32, #tpu.memory_space<hbm>>
        tpu.wait_dma2 semaphore(%run_scoped3A : memref<!tpu.dma_semaphore, #tpu.memory_space<semaphore_mem>>) src(%arg7 : memref<512x16xf32, #tpu.memory_space<vmem>>) dst(%dma_wait3A_334 : memref<512x16xf32, #tpu.memory_space<hbm>>)
        tpu.yield
      }) : () -> ()
    }
    %scan3A_6 = arith.constant 25 : i32
    return
  }
}

module attributes {stable_mosaic.version = 14 : i64} {
  func.func @_mlp_body(%arg0: i32, %arg1: memref<2048x400xf32, #tpu.memory_space<vmem>>, %arg2: memref<400x64xf32, #tpu.memory_space<vmem>>, %arg3: memref<1x64xf32, #tpu.memory_space<vmem>>, %arg4: memref<64x1xf32, #tpu.memory_space<vmem>>, %arg5: memref<1x1xf32, #tpu.memory_space<vmem>>, %arg6: memref<2048x1xf32, #tpu.memory_space<vmem>>) attributes {dimension_semantics = [#tpu.dimension_semantics<arbitrary>], iteration_bounds = array<i64: 8>, scalar_prefetch = 0 : i64, scratch_operands = 0 : i64, tpu.core_type = #tpu.core_type<tc>, window_params = [{transform_indices = @transform_0, window_bounds = array<i64: 2048, 400>}, {pipeline_mode = #tpu.pipeline_mode<synchronous>, transform_indices = @transform_1, window_bounds = array<i64: 400, 64>}, {pipeline_mode = #tpu.pipeline_mode<synchronous>, transform_indices = @transform_2, window_bounds = array<i64: 1, 64>}, {pipeline_mode = #tpu.pipeline_mode<synchronous>, transform_indices = @transform_3, window_bounds = array<i64: 64, 1>}, {pipeline_mode = #tpu.pipeline_mode<synchronous>, transform_indices = @transform_4, window_bounds = array<i64: 1, 1>}, {transform_indices = @transform_5, window_bounds = array<i64: 2048, 1>}]} {
    %get3A = arith.constant 0 : index
    %get3A_0 = arith.constant 0 : index
    %get3A_1 = vector.load %arg1[%get3A, %get3A_0] : memref<2048x400xf32, #tpu.memory_space<vmem>>, vector<2048x400xf32>
    %get3A_2 = arith.constant 0 : index
    %get3A_3 = arith.constant 0 : index
    %get3A_4 = vector.load %arg2[%get3A_2, %get3A_3] : memref<400x64xf32, #tpu.memory_space<vmem>>, vector<400x64xf32>
    %dot_general3A = arith.constant dense<0.000000e+00> : vector<2048x64xf32>
    %dot_general3A_5 = tpu.matmul %get3A_1, %get3A_4, %dot_general3A {dimension_numbers = #tpu.dot_dimension_numbers<[1], [0], [0], [1], [0, 0, 1, 1], [], []>, transpose_lhs_hint = false} : vector<2048x400xf32>, vector<400x64xf32>, vector<2048x64xf32> -> vector<2048x64xf32>
    %get3A_6 = arith.constant 0 : index
    %get3A_7 = arith.constant 0 : index
    %get3A_8 = vector.load %arg3[%get3A_6, %get3A_7] : memref<1x64xf32, #tpu.memory_space<vmem>>, vector<1x64xf32>
    %add3A = vector.broadcast %get3A_8 : vector<1x64xf32> to vector<2048x64xf32>
    %add3A_9 = arith.addf %dot_general3A_5, %add3A : vector<2048x64xf32>
    %max3A = arith.constant 0.000000e+00 : f32
    %max3A_10 = vector.broadcast %max3A : f32 to vector<2048x64xf32>
    %max3A_11 = arith.maximumf %add3A_9, %max3A_10 : vector<2048x64xf32>
    %get3A_12 = arith.constant 0 : index
    %get3A_13 = arith.constant 0 : index
    %get3A_14 = vector.load %arg4[%get3A_12, %get3A_13] : memref<64x1xf32, #tpu.memory_space<vmem>>, vector<64x1xf32>
    %dot_general3A_15 = arith.constant dense<0.000000e+00> : vector<2048x1xf32>
    %dot_general3A_16 = tpu.matmul %max3A_11, %get3A_14, %dot_general3A_15 {dimension_numbers = #tpu.dot_dimension_numbers<[1], [0], [0], [1], [0, 0, 1, 1], [], []>, transpose_lhs_hint = false} : vector<2048x64xf32>, vector<64x1xf32>, vector<2048x1xf32> -> vector<2048x1xf32>
    %get3A_17 = arith.constant 0 : index
    %get3A_18 = arith.constant 0 : index
    %get3A_19 = vector.load %arg5[%get3A_17, %get3A_18] : memref<1x1xf32, #tpu.memory_space<vmem>>, vector<1x1xf32>
    %add3A_20 = vector.broadcast %get3A_19 : vector<1x1xf32> to vector<2048x1xf32>
    %add3A_21 = arith.addf %dot_general3A_16, %add3A_20 : vector<2048x1xf32>
    %neg3A = arith.constant 0.000000e+00 : f32
    %neg3A_22 = vector.broadcast %neg3A : f32 to vector<2048x1xf32>
    %neg3A_23 = arith.subf %neg3A_22, %add3A_21 : vector<2048x1xf32>
    %exp3A = math.exp %neg3A_23 : vector<2048x1xf32>
    %add3A_24 = arith.constant 1.000000e+00 : f32
    %add3A_25 = vector.broadcast %add3A_24 : f32 to vector<2048x1xf32>
    %add3A_26 = arith.addf %add3A_25, %exp3A : vector<2048x1xf32>
    %div3A = arith.constant 1.000000e+00 : f32
    %div3A_27 = vector.broadcast %div3A : f32 to vector<2048x1xf32>
    %div3A_28 = arith.divf %div3A_27, %add3A_26 : vector<2048x1xf32>
    %swap3A = arith.constant 0 : index
    %swap3A_29 = arith.constant 0 : index
    %swap3A_30 = vector.load %arg6[%swap3A, %swap3A_29] : memref<2048x1xf32, #tpu.memory_space<vmem>>, vector<2048x1xf32>
    tpu.vector_store %arg6[%swap3A, %swap3A_29], %div3A_28 {strides = array<i32>} : memref<2048x1xf32, #tpu.memory_space<vmem>>, vector<2048x1xf32>,
    return
  }
  func.func @transform_0(%arg0: i32) -> (i32, i32) {
    %c0_i32 = arith.constant 0 : i32
    %c0_i32_0 = arith.constant 0 : i32
    return %arg0, %c0_i32 : i32, i32
  }
  func.func @transform_1(%arg0: i32) -> (i32, i32) {
    %c0_i32 = arith.constant 0 : i32
    %c0_i32_0 = arith.constant 0 : i32
    %c0_i32_1 = arith.constant 0 : i32
    return %c0_i32, %c0_i32_0 : i32, i32
  }
  func.func @transform_2(%arg0: i32) -> (i32, i32) {
    %c0_i32 = arith.constant 0 : i32
    %c0_i32_0 = arith.constant 0 : i32
    %c0_i32_1 = arith.constant 0 : i32
    return %c0_i32, %c0_i32_0 : i32, i32
  }
  func.func @transform_3(%arg0: i32) -> (i32, i32) {
    %c0_i32 = arith.constant 0 : i32
    %c0_i32_0 = arith.constant 0 : i32
    %c0_i32_1 = arith.constant 0 : i32
    return %c0_i32, %c0_i32_0 : i32, i32
  }
  func.func @transform_4(%arg0: i32) -> (i32, i32) {
    %c0_i32 = arith.constant 0 : i32
    %c0_i32_0 = arith.constant 0 : i32
    %c0_i32_1 = arith.constant 0 : i32
    return %c0_i32, %c0_i32_0 : i32, i32
  }
  func.func @transform_5(%arg0: i32) -> (i32, i32) {
    %c0_i32 = arith.constant 0 : i32
    %c0_i32_0 = arith.constant 0 : i32
    return %arg0, %c0_i32 : i32, i32
  }
}

</mosaic_0001>

<sc_bundles>
// kernel: kernel.4.cloned.1.call-start
scs
__scs_entry_jumppad:
0x0: {  	(pc) =	sbr.rel $0x88, $3  }
0x1: {  	(tag) =	ssettag $0x0;
	lr =	simm.s32 $0x1  }
0x2: {  	[smem:$0x3F99] =	sst lr;
	_ =	strace $0xD0000000  }
0x3: {  	_ = 	snop  }
0x4: {  	_ = 	snop  }
0x5: {  	_ = 	snop  }
0x6: {  	_ = 	snop  }
0x7: {  	_ = 	snop  }
__scs_overlays_trampoline_lowered:
0x8: {  	[smem:$0x3FA8] =	sst s0  }
0x9: {  	[smem:$0x3FA9] =	sst s1  }
0xa: {  	[smem:$0x3FAA] =	sst s2  }
0xb: {  	[smem:$0x3FAB] =	sst s3  }
0xc: {  	[smem:$0x3FAC] =	sst s4  }
0xd: {  	[smem:$0x3FAD] =	sst s5  }
0xe: {  	[smem:$0x3FAE] =	sst s6  }
0xf: {  	[smem:$0x3FAF] =	sst s7  }
0x10: {  	[smem:$0x3FB0] =	sst s8  }
0x11: {  	[smem:$0x3FB1] =	sst s9;
	s0 =	simm.s32 @!p0 $0x0  }
0x12: {  	s1 =	sld [smem:$0x3F97];
	s0 =	simm.s32 @p0 $0x1  }
0x13: {  	[smem:$0x3FB2] =	sst s0;
	s0 =	simm.s32 @!p1 $0x0  }
0x14: {  	s2 =	sld [smem:$0x3F96];
	s0 =	simm.s32 @p1 $0x1  }
0x15: {  	[smem:$0x3FB3] =	sst s0;
	s0 =	simm.s32 @!p2 $0x0  }
0x16: {  	s3 =	sld [smem:$0x3FDB];
	s0 =	simm.s32 @p2 $0x1  }
0x17: {  	s4 =	simm.s32 $0x1BF5;
	[smem:$0x3FB5] =	sst s0  }
0x18: {  	s0 =	sld [smem:$0x3F98];
	_ =	swait.ge [sflag:s4], $0x0  }
0x19: {  	s7 =	sld [smem:$0x3F99]  }
0x1a: {  	s8 =	sadd.s32 $0xFFFFE003, lr  }
0x1b: {  	s9 =	sadd.s32 $0xFFFFFEF7, lr;
	s5 =	simm.s32 $0xFFFFFFFF;
	p2 =	slt.u32 s8, $0xFFFFF086  }
0x1c: {  	p1 =	slt.u32 s9, $0xF7A;
	s5 =	simm.s32 @!p2 $0x0  }
0x1d: {  	s5 =	simm.s32 @p1 $0x1;
	p0 =	seq.s32 s7, s2  }
0x1e: {  	s7 =	smul.u32 @!p0 $0xF7A, s2;
	p2 =	seq.s32 @!p0 s5, $0x0  }
0x1f: {  	s9 =	smul.u32 $0xF7A, s1;
	s8 =	simm.s32 @!p0 $0x1BF5;
	p2 =	por !p2, p0  }
0x20: {  	[sflag:s8] =	ssyncset.s32 @!p0 $0xFFFFF086;
	s6 =	sadd.s32 @!p0 s3, s7;
	s7 =	simm.s32 @!p0 $0x108  }
0x21: {  	s3 =	sadd.s32 s3, s9;
	s6 =	sadd.s32 @!p0 $0x88, s6;
	s7 =	simm.s32 @p2 $0x1082  }
0x22: {  	[simem:s7], [sflag:s8] =	dma.local @!p0 [hbm:s6], $0xF7A  }
0x23: {  	s9 =	sor.u32 $0xD0000000, s2;
	s6 =	simm.s32 $0x108;
	_ =	swait.ge @!p0 [sflag:s8], $0x0  }
0x24: {  	s3 =	sadd.s32 $0x88, s3;
	s6 =	simm.s32 @!p1 $0x1082;
	[sflag:s4] =	ssyncset.s32 $0xFFFFF086  }
0x25: {  	[simem:s6], [sflag:s4] =	dma.local [hbm:s3], $0xF7A  }
0x26: {  	[smem:$0x3F99] =	sst s1;
	(tag) =	ssettag s2;
	_ =	strace s9  }
0x27: {  	s1 =	sld [smem:$0x3FA9]  }
0x28: {  	s2 =	sld [smem:$0x3FAA]  }
0x29: {  	s4 =	sld [smem:$0x3FAC]  }
0x2a: {  	p0 =	seq.s32 s5, $0x0;
	s5 =	sld [smem:$0x3FAD]  }
0x2b: {  	s6 =	sld [smem:$0x3FAE]  }
0x2c: {  	s7 =	sld [smem:$0x3FAF]  }
0x2d: {  	s3 =	simm.s32 $0x108;
	s8 =	sld [smem:$0x3FB0]  }
0x2e: {  	s3 =	simm.s32 @!p0 $0x1082;
	s9 =	sld [smem:$0x3FB1]  }
0x2f: {  	lr =	sadd.s32 s0, s3;
	s0 =	sld [smem:$0x3FA8]  }
0x30: {  	s3 =	sld [smem:$0x3FAB]  }
0x31: {  	[smem:$0x3FB4] =	sst s10  }
0x32: {  	s10 =	sld [smem:$0x3FB2];
	_ =	sdelay $0x3  }
0x33: {  	p0 =	seq.s32 s10, $0x1;
	s10 =	sld [smem:$0x3FB4];
	_ =	sdelay $0x3  }
0x34: {  	[smem:$0x3FB4] =	sst s10  }
0x35: {  	s10 =	sld [smem:$0x3FB3];
	_ =	sdelay $0x3  }
0x36: {  	p1 =	seq.s32 s10, $0x1;
	s10 =	sld [smem:$0x3FB4];
	_ =	sdelay $0x3  }
0x37: {  	[smem:$0x3FB4] =	sst s10  }
0x38: {  	s10 =	sld [smem:$0x3FB5]  }
0x39: {  	_ = 	snop;
	(pc) =	sbr.ind lr, $3  }
0x3a: {  	_ = 	snop  }
0x3b: {  	_ = 	snop  }
0x3c: {  	p2 =	seq.s32 s10, $0x1;
	s10 =	sld [smem:$0x3FB4]  }
0x3d: {  	_ =	shalt  }
0x3e: {  	_ =	shalt  }
0x3f: {  	_ =	shalt  }
0x40: {  	_ =	shalt  }
0x41: {  	_ =	shalt  }
0x42: {  	_ =	shalt  }
0x43: {  	_ =	shalt  }
0x44: {  	_ =	shalt  }
0x45: {  	_ =	shalt  }
0x46: {  	_ =	shalt  }
0x47: {  	_ =	shalt  }
0x48: {  	_ =	shalt  }
0x49: {  	_ =	shalt  }
0x4a: {  	_ =	shalt  }
0x4b: {  	_ =	shalt  }
0x4c: {  	_ =	shalt  }
0x4d: {  	_ =	shalt  }
0x4e: {  	_ =	shalt  }
0x4f: {  	_ =	shalt  }
0x50: {  	_ =	shalt  }
0x51: {  	_ =	shalt  }
0x52: {  	_ =	shalt  }
0x53: {  	_ =	shalt  }
0x54: {  	_ =	shalt  }
0x55: {  	_ =	shalt  }
0x56: {  	_ =	shalt  }
0x57: {  	_ =	shalt  }
0x58: {  	_ =	shalt  }
0x59: {  	_ =	shalt  }
0x5a: {  	_ =	shalt  }
0x5b: {  	_ =	shalt  }
0x5c: {  	_ =	shalt  }
0x5d: {  	_ =	shalt  }
0x5e: {  	_ =	shalt  }
0x5f: {  	_ =	shalt  }
0x60: {  	_ =	shalt  }
0x61: {  	_ =	shalt  }
0x62: {  	_ =	shalt  }
0x63: {  	_ =	shalt  }
0x64: {  	_ =	shalt  }
0x65: {  	_ =	shalt  }
0x66: {  	_ =	shalt  }
0x67: {  	_ =	shalt  }
0x68: {  	_ =	shalt  }
0x69: {  	_ =	shalt  }
0x6a: {  	_ =	shalt  }
0x6b: {  	_ =	shalt  }
0x6c: {  	_ =	shalt  }
0x6d: {  	_ =	shalt  }
0x6e: {  	_ =	shalt  }
0x6f: {  	_ =	shalt  }
0x70: {  	_ =	shalt  }
0x71: {  	_ =	shalt  }
0x72: {  	_ =	shalt  }
0x73: {  	_ =	shalt  }
0x74: {  	_ =	shalt  }
0x75: {  	_ =	shalt  }
0x76: {  	_ =	shalt  }
0x77: {  	_ =	shalt  }
0x78: {  	_ =	shalt  }
0x79: {  	_ =	shalt  }
0x7a: {  	_ =	shalt  }
0x7b: {  	_ =	shalt  }
0x7c: {  	_ =	shalt  }
0x7d: {  	_ =	shalt  }
0x7e: {  	_ =	shalt  }
0x7f: {  	_ =	shalt  }
0x80: {  	_ =	shalt  }
0x81: {  	_ =	shalt  }
0x82: {  	_ =	shalt  }
0x83: {  	_ =	shalt  }
0x84: {  	_ =	shalt  }
0x85: {  	_ =	shalt  }
0x86: {  	_ =	shalt  }
0x87: {  	_ =	shalt  }
.Lfunc_end0:
.L_simem_size_0:
called_computation_lowered:
.L_overlay_start_0:
0x88: {  	s2 =	sld [smem:$0x3FD9]  }
0x89: {  	s3 =	sld [smem:$0x3FFE];
	_ =	sdelay $0x1  }
0x8a: {  	s1 =	srdreg.scid  }
0x8b: {  	s0 =	sand.u32 $0x1, s1  }
0x8c: {  	s16 =	sshll.u32 s0, $0xA;
	s2 =	sadd.s32 s3, s2  }
0x8d: {  	s2 =	sadd.s32 s2, s16  }
0x8e: {  	[smem:$0x3FC0] =	sst s2  }
0x8f: {  	_ = 	snop  }
0x90: {  	(tm) =	ssettm $0x1  }
0x91: {  	s17 =	sld [smem:$0x3FFB];
	_ =	sdelay $0x3  }
0x92: {  	_ =	strace s17  }
0x93: {  	s2 =	sld [smem:$0x3FFC];
	_ =	sdelay $0x3  }
0x94: {  	_ =	strace s2  }
0x95: {  	s2 =	sld [smem:$0x3FFD];
	_ =	sdelay $0x3  }
0x96: {  	_ =	strace s2  }
0x97: {  	_ =	strace $0x8FFFFFFF  }
0x98: {  	s18 =	sld [smem:$0x3FDB];
	_ =	sdelay $0x1  }
0x99: {  	s19 =	simm.s32 $_scs_section_size  }
0x9a: {  	s4 =	simm.s32 $_size__tile_overlayer_lowered;
	s5 =	simm.s32 $_tile_overlayer_lowered  }
0x9b: {  	s22 =	simm.s32 $0x1BFF;
	s21 =	sshll.u32 s5, $0x1;
	s2 =	sadd.s32 s19, s18  }
0x9c: {  	s6 =	simm.s32 $0x0;
	s20 =	sshll.u32 s4, $0x1;
	s4 =	sadd.s32 s21, s2  }
0x9d: {  	[timem:s6], [sflag:s22] =	dma.local [hbm:s4], s20  }
0x9e: {  	_ =	swait.ge [sflag:s22], s20  }
0x9f: {  	s3 =	ssub.s32 $0x0, s20;
	[sflag:s22] =	ssyncset.done $0x0  }
0xa0: {  	[sflag:s22] =	ssyncadd.s32 s3;
	_ =	sdelay $0x1  }
0xa1: {  	s23 =	simm.s32 $0x1B8B  }
0xa2: {  	_ =	swait.ge [sflag:s23], $0x1  }
0xa3: {  	[sflag:s23] =	ssyncset.done $0x0  }
0xa4: {  	s25 =	simm.s32 $0x1B8E;
	s24 =	sld [smem:$0x3FFE];
	[sflag:s23] =	ssyncadd.s32 $0xFFFFFFFF  }
0xa5: {  	s26 =	simm.s32 $execute0_lowered;
	[smem:$0x3FD2] =	sst s25  }
0xa6: {  	s4 =	sshll.u32 s26, $0x1;
	_ =	strace $0x80000046;
	[dreg:$0x1] =	wrdreg $0xFFFFFFFF  }
0xa7: {  	s28 =	simm.s32 $_size_execute0_lowered;
	s2 =	sadd.s32 s2, s4;
	[dreg:$0x0] =	wrdreg $0x0  }
0xa8: {  	s4 =	sshll.u32 s28, $0x1;
	[dreg:$0x2] =	wrdreg s2  }
0xa9: {  	[dreg:$0x3] =	wrdreg s4  }
0xaa: {  	[dreg:$0x4] =	wrdreg $0xC0  }
0xab: {  	_ =	task [dreg:s6], $0x5FFFF  }
0xac: {  	[dreg:$0x1] =	wrdreg $0xFFFFFFFF  }
0xad: {  	[dreg:$0x0] =	wrdreg $0x60  }
0xae: {  	[dreg:$0x2] =	wrdreg s24  }
0xaf: {  	[dreg:$0x3] =	wrdreg $0x9  }
0xb0: {  	_ =	task.clear_ibuf [dreg:s6], $0x4FFFF;
	_ =	strace $0x90000046  }
0xb1: {  	s29 =	simm.s32 $0x9;
	_ =	strace $0x80000048  }
0xb2: {  	_ =	swait.ge [sflag:s29], $0x1  }
0xb3: {  	[sflag:s29] =	ssyncadd.s32 $0xFFFFFFFF  }
0xb4: {  	_ =	strace $0x90000048  }
0xb5: {  	_ =	sfence  }
0xb6: {  	s30 =	sld [smem:$0x0];
	_ =	sdelay $0x2  }
0xb7: {  	s31 =	sshll.u32 s1, $0xD;
	s1 =	sshrl.u32 s1, $0x2  }
0xb8: {  	s3 =	sand.u32 $0x4000, s31;
	s1 =	sadd.s32 s1, s30  }
0xb9: {  	s0 =	sor.u32 s3, s0;
	s1 =	sshll.u32 s1, $0x11  }
0xba: {  	s0 =	sor.u32 s1, s0  }
0xbb: {  	s0 =	sadd.s32 $0x8F2B, s0  }
0xbc: {  	[sflag:s0] =	ssyncadd.remote.s32 $0x1  }
0xbd: {  	_ =	sfence.sel $0xFFFF  }
0xbe: {  	[dreg:$0x0] =	wrdreg $0xFFFFFFFF;
	(pc) =	sbr.abs _section_cstart, $3  }
0xbf: {  	[dreg:$0x1] =	wrdreg $0xFFFFFFFF  }
0xc0: {  	_ =	task.clear_ibuf [dreg:s6], $0x2FFFF;
	_ =	strace $0x9FFFFFFF  }
0xc1: {  	(tm) =	ssettm $0x7FFFFFFF  }
tec
execute0_lowered:
.L_overlay_start_1:
0x0: {  	(tag) =	ssettag $0x1  }
0x1: {  	s6 =	rddreg [dreg:$0x0];
	v0 =	vlaneseq.u32  }
0x2: {  	s0 =	rddreg [dreg:$0x1];
	v0 =	vmul.u32 $0x20, v0  }
0x3: {  	s3 =	srdreg.scid;
	s1 =	stileid.u32;
	s2 =	simm.s32 $0x0  }
0x4: {  	s9 =	simm.s32 $0x4000;
	s10 =	simm.s32 $0x4200;
	s11 =	simm.s32 $0x4080;
	v1 =	vor.u32 $0x200, v0  }
0x5: {  	s12 =	simm.s32 $0x4A00;
	s13 =	simm.s32 $0x4100;
	s14 =	simm.s32 $0x5200;
	v2 =	vor.u32 $0x400, v0;
	v3 =	vor.u32 $0x600, v0;
	v4 =	vor.u32 $0x800, v0  }
0x6: {  	s15 =	simm.s32 $0x4180;
	s16 =	simm.s32 $0x5A00;
	s17 =	simm.s32 $0x1;
	v5 =	vor.u32 $0xA00, v0;
	v6 =	vor.u32 $0xC00, v0;
	v7 =	vor.u32 $0xE00, v0  }
0x7: {  	s18 =	simm.s32 $0x10;
	s19 =	simm.s32 $0x190;
	s20 =	simm.s32 $0x0;
	v8 =	vor.u32 $0x1000, v0;
	v9 =	vor.u32 $0x1200, v0;
	v10 =	vor.u32 $0x1400, v0  }
0x8: {  	s3 =	sand.u32 $0x1, s3;
	s4 =	smul.u32 $0x64000, s1;
	[smem:$0x7FF] =	sst s2;
	v11 =	vor.u32 $0x1600, v0;
	v12 =	vor.u32 $0x1800, v0;
	v13 =	vor.u32 $0x1A00, v0  }
0x9: {  	s7 =	sshll.u32 s1, $0xC;
	s5 =	smul.u32 $0x32000, s3;
	s8 =	sshll.u32 s3, $0xB;
	v14 =	vor.u32 $0x1C00, v0;
	v15 =	vor.u32 $0x1E00, v0;
	v16 =	vor.u32 $0x2000, v0  }
0xa: {  	_ =	strace $0x80000047;
	s3 =	ssub.s32 $0x2, s3;
	s28 =	sor.u32 s8, s7;
	v17 =	vor.u32 $0x2200, v0;
	v18 =	vor.u32 $0x2400, v0;
	v19 =	vor.u32 $0x2600, v0  }
0xb: {  	s29 =	sshrl.u32 s3, $0x1;
	s7 =	simm.s32 $0x2;
	v20 =	vor.u32 $0x2800, v0;
	v21 =	vor.u32 $0x2A00, v0;
	v22 =	vor.u32 $0x2C00, v0;
	s4 =	sadd.s32 s5, s4  }
0xc: {  	s8 =	simm.s32 $0x80;
	v23 =	vor.u32 $0x2E00, v0;
	v24 =	vor.u32 $0x3000, v0;
	v25 =	vor.u32 $0x3200, v0;
	s5 =	sadd.s32 s28, s6;
	s4 =	sshrl.u32 s4, $0x3  }
0xd: {  	v26 =	vor.u32 $0x3400, v0;
	v27 =	vor.u32 $0x3600, v0;
	v28 =	vor.u32 $0x3800, v0;
	s31 =	ssub.s32 s3, s29;
	s3 =	sadd.s32 $0x1000, s5;
	s30 =	sadd.s32 s4, s6  }
0xe: {  	v29 =	vor.u32 $0x3A00, v0;
	v30 =	vor.u32 $0x3C00, v0;
	v31 =	vor.u32 $0x3E00, v0;
	s4 =	smax.u32 s31, $0x1;
	s6 =	sadd.s32 $0x27DE140, s6;
	s5 =	sadd.s32 $0x11000, s30  }
.LBB2_1:
0xf: {  	v32 =	vmov s17  }
0x10: {  	v32 =	vand.u32 $0x3F, v32  }
0x11: {  	v33 =	vadd.s32 v0, v32  }
0x12: {  	[tilespmem:s2], [sflag:$0x2] =	stream.linear.gather [hbm4b:s3+s2], $0x4000, $0x38;
	[tilespmem:$0x6200] =	vst v63  }
0x13: {  	_ =	swait.ge [sflag:s7], $0x4000  }
0x14: {  	[sflag:s7] =	ssyncset.done $0x0  }
0x15: {  	[sflag:s7] =	ssyncadd.s32 $0xFFFFC000  }
0x16: {  	v33 =	vld.idx.msk [tilespmem:v33+s2+$0x0], $0xffff  }
0x17: {  	v34 =	vadd.s32 v1, v32;
	_ =	sdelay $0x3  }
0x18: {  	[tilespmem:$0x4000] =	vst v33  }
0x19: {  	v33 =	vld.idx.msk [tilespmem:v34+s2+$0x0], $0xffff  }
0x1a: {  	v62 =	vadd.s32 v2, v32;
	_ =	sdelay $0x3  }
0x1b: {  	[tilespmem:$0x4010] =	vst v33  }
0x1c: {  	v33 =	vld.idx.msk [tilespmem:v62+s2+$0x0], $0xffff  }
0x1d: {  	v63 =	vadd.s32 v3, v32;
	_ =	sdelay $0x3  }
0x1e: {  	[tilespmem:$0x4020] =	vst v33  }
0x1f: {  	v33 =	vld.idx.msk [tilespmem:v63+s2+$0x0], $0xffff  }
0x20: {  	v36 =	vadd.s32 v4, v32;
	_ =	sdelay $0x3  }
0x21: {  	[tilespmem:$0x4030] =	vst v33  }
0x22: {  	v33 =	vld.idx.msk [tilespmem:v36+s2+$0x0], $0xffff  }
0x23: {  	v37 =	vadd.s32 v5, v32;
	_ =	sdelay $0x3  }
0x24: {  	[tilespmem:$0x4040] =	vst v33  }
0x25: {  	v33 =	vld.idx.msk [tilespmem:v37+s2+$0x0], $0xffff  }
0x26: {  	v38 =	vadd.s32 v6, v32;
	_ =	sdelay $0x3  }
0x27: {  	[tilespmem:$0x4050] =	vst v33  }
0x28: {  	v33 =	vld.idx.msk [tilespmem:v38+s2+$0x0], $0xffff  }
0x29: {  	v39 =	vadd.s32 v7, v32;
	_ =	sdelay $0x3  }
0x2a: {  	[tilespmem:$0x4060] =	vst v33  }
0x2b: {  	v33 =	vld.idx.msk [tilespmem:v39+s2+$0x0], $0xffff  }
0x2c: {  	v40 =	vadd.s32 v8, v32;
	_ =	sdelay $0x3  }
0x2d: {  	[tilespmem:$0x4070] =	vst v33  }
0x2e: {  	v33 =	vld.idx.msk [tilespmem:v40+s2+$0x0], $0xffff  }
0x2f: {  	v41 =	vadd.s32 v9, v32;
	_ =	sdelay $0x3  }
0x30: {  	[tilespmem:$0x4080] =	vst v33  }
0x31: {  	v33 =	vld.idx.msk [tilespmem:v41+s2+$0x0], $0xffff  }
0x32: {  	v42 =	vadd.s32 v10, v32;
	_ =	sdelay $0x3  }
0x33: {  	[tilespmem:$0x4090] =	vst v33  }
0x34: {  	v33 =	vld.idx.msk [tilespmem:v42+s2+$0x0], $0xffff  }
0x35: {  	v43 =	vadd.s32 v11, v32;
	_ =	sdelay $0x3  }
0x36: {  	[tilespmem:$0x40A0] =	vst v33  }
0x37: {  	v33 =	vld.idx.msk [tilespmem:v43+s2+$0x0], $0xffff  }
0x38: {  	v44 =	vadd.s32 v12, v32;
	_ =	sdelay $0x3  }
0x39: {  	[tilespmem:$0x40B0] =	vst v33  }
0x3a: {  	v33 =	vld.idx.msk [tilespmem:v44+s2+$0x0], $0xffff  }
0x3b: {  	v45 =	vadd.s32 v13, v32;
	_ =	sdelay $0x3  }
0x3c: {  	[tilespmem:$0x40C0] =	vst v33  }
0x3d: {  	v33 =	vld.idx.msk [tilespmem:v45+s2+$0x0], $0xffff  }
0x3e: {  	v46 =	vadd.s32 v14, v32;
	_ =	sdelay $0x3  }
0x3f: {  	[tilespmem:$0x40D0] =	vst v33  }
0x40: {  	v33 =	vld.idx.msk [tilespmem:v46+s2+$0x0], $0xffff  }
0x41: {  	v47 =	vadd.s32 v15, v32;
	_ =	sdelay $0x3  }
0x42: {  	[tilespmem:$0x40E0] =	vst v33  }
0x43: {  	v33 =	vld.idx.msk [tilespmem:v47+s2+$0x0], $0xffff  }
0x44: {  	v48 =	vadd.s32 v16, v32;
	_ =	sdelay $0x3  }
0x45: {  	[tilespmem:$0x40F0] =	vst v33  }
0x46: {  	v33 =	vld.idx.msk [tilespmem:v48+s2+$0x0], $0xffff  }
0x47: {  	v49 =	vadd.s32 v17, v32;
	_ =	sdelay $0x3  }
0x48: {  	[tilespmem:$0x4100] =	vst v33  }
0x49: {  	v33 =	vld.idx.msk [tilespmem:v49+s2+$0x0], $0xffff  }
0x4a: {  	v50 =	vadd.s32 v18, v32;
	_ =	sdelay $0x3  }
0x4b: {  	[tilespmem:$0x4110] =	vst v33  }
0x4c: {  	v33 =	vld.idx.msk [tilespmem:v50+s2+$0x0], $0xffff  }
0x4d: {  	v51 =	vadd.s32 v19, v32;
	_ =	sdelay $0x3  }
0x4e: {  	[tilespmem:$0x4120] =	vst v33  }
0x4f: {  	v33 =	vld.idx.msk [tilespmem:v51+s2+$0x0], $0xffff  }
0x50: {  	v52 =	vadd.s32 v20, v32;
	_ =	sdelay $0x3  }
0x51: {  	[tilespmem:$0x4130] =	vst v33  }
0x52: {  	v33 =	vld.idx.msk [tilespmem:v52+s2+$0x0], $0xffff  }
0x53: {  	v53 =	vadd.s32 v21, v32;
	_ =	sdelay $0x3  }
0x54: {  	[tilespmem:$0x4140] =	vst v33  }
0x55: {  	v33 =	vld.idx.msk [tilespmem:v53+s2+$0x0], $0xffff  }
0x56: {  	v54 =	vadd.s32 v22, v32;
	_ =	sdelay $0x3  }
0x57: {  	[tilespmem:$0x4150] =	vst v33  }
0x58: {  	v33 =	vld.idx.msk [tilespmem:v54+s2+$0x0], $0xffff  }
0x59: {  	v55 =	vadd.s32 v23, v32;
	_ =	sdelay $0x3  }
0x5a: {  	[tilespmem:$0x4160] =	vst v33  }
0x5b: {  	v33 =	vld.idx.msk [tilespmem:v55+s2+$0x0], $0xffff  }
0x5c: {  	v56 =	vadd.s32 v24, v32;
	_ =	sdelay $0x3  }
0x5d: {  	[tilespmem:$0x4170] =	vst v33  }
0x5e: {  	v33 =	vld.idx.msk [tilespmem:v56+s2+$0x0], $0xffff  }
0x5f: {  	v57 =	vadd.s32 v25, v32;
	_ =	sdelay $0x3  }
0x60: {  	[tilespmem:$0x4180] =	vst v33  }
0x61: {  	v33 =	vld.idx.msk [tilespmem:v57+s2+$0x0], $0xffff  }
0x62: {  	v58 =	vadd.s32 v26, v32;
	_ =	sdelay $0x3  }
0x63: {  	[tilespmem:$0x4190] =	vst v33  }
0x64: {  	v33 =	vld.idx.msk [tilespmem:v58+s2+$0x0], $0xffff  }
0x65: {  	v59 =	vadd.s32 v27, v32;
	_ =	sdelay $0x3  }
0x66: {  	[tilespmem:$0x41A0] =	vst v33  }
0x67: {  	v33 =	vld.idx.msk [tilespmem:v59+s2+$0x0], $0xffff  }
0x68: {  	v60 =	vadd.s32 v28, v32;
	_ =	sdelay $0x3  }
0x69: {  	[tilespmem:$0x41B0] =	vst v33  }
0x6a: {  	v33 =	vld.idx.msk [tilespmem:v60+s2+$0x0], $0xffff  }
0x6b: {  	v61 =	vadd.s32 v29, v32;
	_ =	sdelay $0x3  }
0x6c: {  	[tilespmem:$0x41C0] =	vst v33  }
0x6d: {  	v33 =	vld.idx.msk [tilespmem:v61+s2+$0x0], $0xffff  }
0x6e: {  	v62 =	vadd.s32 v30, v32;
	_ =	sdelay $0x3  }
0x6f: {  	[tilespmem:$0x41D0] =	vst v33  }
0x70: {  	v33 =	vld.idx.msk [tilespmem:v62+s2+$0x0], $0xffff  }
0x71: {  	v32 =	vadd.s32 v31, v32;
	_ =	sdelay $0x3  }
0x72: {  	[tilespmem:$0x41E0] =	vst v33  }
0x73: {  	v32 =	vld.idx.msk [tilespmem:v32+s2+$0x0], $0xffff;
	_ =	sdelay $0x4  }
0x74: {  	[tilespmem:$0x41F0] =	vst v32  }
0x75: {  	[tilespmem:s10], [sflag:$0x1] =	stream.indirect.gather [hbm4b:s6+s8], $0x10, s9, s8, $0xb8;
	[tilespmem:$0x6200] =	vst v63  }
0x76: {  	_ = 	snop  }
0x77: {  	[tilespmem:s12], [sflag:$0x1] =	stream.indirect.gather [hbm4b:s6+s8], $0x10, s11, s8, $0xb8;
	[tilespmem:$0x6200] =	vst v63  }
0x78: {  	_ = 	snop  }
0x79: {  	[tilespmem:s14], [sflag:$0x1] =	stream.indirect.gather [hbm4b:s6+s8], $0x10, s13, s8, $0xb8;
	[tilespmem:$0x6200] =	vst v63  }
0x7a: {  	_ = 	snop  }
0x7b: {  	[tilespmem:s16], [sflag:$0x1] =	stream.indirect.gather [hbm4b:s6+s8], $0x10, s15, s8, $0xb8;
	[tilespmem:$0x6200] =	vst v63  }
0x7c: {  	_ =	swait.ge [sflag:s17], $0x800  }
0x7d: {  	[sflag:s17] =	ssyncset.done $0x0  }
0x7e: {  	[sflag:s17] =	ssyncadd.s32 $0xFFFFF800  }
0x7f: {  	_ =	swait.ge [sflag:s17], $0x800  }
0x80: {  	[sflag:s17] =	ssyncset.done $0x0  }
0x81: {  	[sflag:s17] =	ssyncadd.s32 $0xFFFFF800  }
0x82: {  	_ =	swait.ge [sflag:s17], $0x800  }
0x83: {  	[sflag:s17] =	ssyncset.done $0x0  }
0x84: {  	[sflag:s17] =	ssyncadd.s32 $0xFFFFF800  }
0x85: {  	s21 =	simm.s32 $0x2;
	_ =	swait.ge [sflag:s17], $0x800  }
0x86: {  	v63 =	vmov s21;
	[sflag:s17] =	ssyncset.done $0x0  }
0x87: {  	v32 =	vand.u32 $0x3F, v63;
	[sflag:s17] =	ssyncadd.s32 $0xFFFFF800  }
0x88: {  	v33 =	vadd.s32 v0, v32;
	[hbm4b:s5+s18] =	stream.strided.scatter [tilespmem:s10], [sflag:$0x2], $0x2000, s19, s18, $0x38;
	[tilespmem:$0x6200] =	vst v63  }
0x89: {  	s25 =	simm.s32 $0x3;
	_ =	swait.ge [sflag:s7], $0x2000  }
0x8a: {  	s22 =	sadd.s32 $0x30D40, s6;
	s21 =	smov.u32 s5;
	[sflag:s7] =	ssyncset.done $0x0  }
.LBB2_2:
0x8b: {  	[sflag:s7] =	ssyncadd.s32 $0xFFFFE000  }
0x8c: {  	s21 =	sadd.s32 $0x2, s21;
	s24 =	smov.u32 s25;
	s23 =	sadd.s32 $0x1, s25  }
0x8d: {  	p0 =	sne.s32 s25, $0x19;
	v33 =	vld.idx.msk [tilespmem:v33+s2+$0x0], $0xffff;
	_ =	sdelay $0x1  }
0x8e: {  	v34 =	vadd.s32 v1, v32;
	_ =	sdelay $0x3  }
0x8f: {  	[tilespmem:$0x4000] =	vst v33  }
0x90: {  	v33 =	vld.idx.msk [tilespmem:v34+s2+$0x0], $0xffff;
	_ =	sdelay $0x1  }
0x91: {  	v34 =	vadd.s32 v2, v32;
	_ =	sdelay $0x3  }
0x92: {  	[tilespmem:$0x4010] =	vst v33  }
0x93: {  	v33 =	vld.idx.msk [tilespmem:v34+s2+$0x0], $0xffff;
	_ =	sdelay $0x1  }
0x94: {  	v34 =	vadd.s32 v3, v32;
	_ =	sdelay $0x3  }
0x95: {  	[tilespmem:$0x4020] =	vst v33  }
0x96: {  	v33 =	vld.idx.msk [tilespmem:v34+s2+$0x0], $0xffff;
	_ =	sdelay $0x1  }
0x97: {  	v34 =	vadd.s32 v4, v32;
	_ =	sdelay $0x3  }
0x98: {  	[tilespmem:$0x4030] =	vst v33  }
0x99: {  	v33 =	vld.idx.msk [tilespmem:v34+s2+$0x0], $0xffff;
	_ =	sdelay $0x1  }
0x9a: {  	v34 =	vadd.s32 v5, v32;
	_ =	sdelay $0x3  }
0x9b: {  	[tilespmem:$0x4040] =	vst v33  }
0x9c: {  	v33 =	vld.idx.msk [tilespmem:v34+s2+$0x0], $0xffff;
	_ =	sdelay $0x1  }
0x9d: {  	v34 =	vadd.s32 v6, v32;
	_ =	sdelay $0x3  }
0x9e: {  	[tilespmem:$0x4050] =	vst v33  }
0x9f: {  	v33 =	vld.idx.msk [tilespmem:v34+s2+$0x0], $0xffff;
	_ =	sdelay $0x1  }
0xa0: {  	v34 =	vadd.s32 v7, v32;
	_ =	sdelay $0x3  }
0xa1: {  	[tilespmem:$0x4060] =	vst v33  }
0xa2: {  	v33 =	vld.idx.msk [tilespmem:v34+s2+$0x0], $0xffff;
	_ =	sdelay $0x1  }
0xa3: {  	v34 =	vadd.s32 v8, v32;
	_ =	sdelay $0x3  }
0xa4: {  	[tilespmem:$0x4070] =	vst v33  }
0xa5: {  	v33 =	vld.idx.msk [tilespmem:v34+s2+$0x0], $0xffff;
	_ =	sdelay $0x1  }
0xa6: {  	v34 =	vadd.s32 v9, v32;
	_ =	sdelay $0x3  }
0xa7: {  	[tilespmem:$0x4080] =	vst v33  }
0xa8: {  	v33 =	vld.idx.msk [tilespmem:v34+s2+$0x0], $0xffff;
	_ =	sdelay $0x1  }
0xa9: {  	v34 =	vadd.s32 v10, v32;
	_ =	sdelay $0x3  }
0xaa: {  	[tilespmem:$0x4090] =	vst v33  }
0xab: {  	v33 =	vld.idx.msk [tilespmem:v34+s2+$0x0], $0xffff;
	_ =	sdelay $0x1  }
0xac: {  	v34 =	vadd.s32 v11, v32;
	_ =	sdelay $0x3  }
0xad: {  	[tilespmem:$0x40A0] =	vst v33  }
0xae: {  	v33 =	vld.idx.msk [tilespmem:v34+s2+$0x0], $0xffff;
	_ =	sdelay $0x1  }
0xaf: {  	v34 =	vadd.s32 v12, v32;
	_ =	sdelay $0x3  }
0xb0: {  	[tilespmem:$0x40B0] =	vst v33  }
0xb1: {  	v33 =	vld.idx.msk [tilespmem:v34+s2+$0x0], $0xffff;
	_ =	sdelay $0x1  }
0xb2: {  	v34 =	vadd.s32 v13, v32;
	_ =	sdelay $0x3  }
0xb3: {  	[tilespmem:$0x40C0] =	vst v33  }
0xb4: {  	v33 =	vld.idx.msk [tilespmem:v34+s2+$0x0], $0xffff;
	_ =	sdelay $0x1  }
0xb5: {  	v34 =	vadd.s32 v14, v32;
	_ =	sdelay $0x3  }
0xb6: {  	[tilespmem:$0x40D0] =	vst v33  }
0xb7: {  	v33 =	vld.idx.msk [tilespmem:v34+s2+$0x0], $0xffff;
	_ =	sdelay $0x1  }
0xb8: {  	v34 =	vadd.s32 v15, v32;
	_ =	sdelay $0x3  }
0xb9: {  	[tilespmem:$0x40E0] =	vst v33  }
0xba: {  	v33 =	vld.idx.msk [tilespmem:v34+s2+$0x0], $0xffff;
	_ =	sdelay $0x1  }
0xbb: {  	v34 =	vadd.s32 v16, v32;
	_ =	sdelay $0x3  }
0xbc: {  	[tilespmem:$0x40F0] =	vst v33  }
0xbd: {  	v33 =	vld.idx.msk [tilespmem:v34+s2+$0x0], $0xffff;
	_ =	sdelay $0x1  }
0xbe: {  	v34 =	vadd.s32 v17, v32;
	_ =	sdelay $0x3  }
0xbf: {  	[tilespmem:$0x4100] =	vst v33  }
0xc0: {  	v33 =	vld.idx.msk [tilespmem:v34+s2+$0x0], $0xffff;
	_ =	sdelay $0x1  }
0xc1: {  	v34 =	vadd.s32 v18, v32;
	_ =	sdelay $0x3  }
0xc2: {  	[tilespmem:$0x4110] =	vst v33  }
0xc3: {  	v33 =	vld.idx.msk [tilespmem:v34+s2+$0x0], $0xffff;
	_ =	sdelay $0x1  }
0xc4: {  	v34 =	vadd.s32 v19, v32;
	_ =	sdelay $0x3  }
0xc5: {  	[tilespmem:$0x4120] =	vst v33  }
0xc6: {  	v33 =	vld.idx.msk [tilespmem:v34+s2+$0x0], $0xffff;
	_ =	sdelay $0x1  }
0xc7: {  	v34 =	vadd.s32 v20, v32;
	_ =	sdelay $0x3  }
0xc8: {  	[tilespmem:$0x4130] =	vst v33  }
0xc9: {  	v33 =	vld.idx.msk [tilespmem:v34+s2+$0x0], $0xffff;
	_ =	sdelay $0x1  }
0xca: {  	v34 =	vadd.s32 v21, v32;
	_ =	sdelay $0x3  }
0xcb: {  	[tilespmem:$0x4140] =	vst v33  }
0xcc: {  	v33 =	vld.idx.msk [tilespmem:v34+s2+$0x0], $0xffff;
	_ =	sdelay $0x1  }
0xcd: {  	v34 =	vadd.s32 v22, v32;
	_ =	sdelay $0x3  }
0xce: {  	[tilespmem:$0x4150] =	vst v33  }
0xcf: {  	v33 =	vld.idx.msk [tilespmem:v34+s2+$0x0], $0xffff;
	_ =	sdelay $0x1  }
0xd0: {  	v34 =	vadd.s32 v23, v32;
	_ =	sdelay $0x3  }
0xd1: {  	[tilespmem:$0x4160] =	vst v33  }
0xd2: {  	v33 =	vld.idx.msk [tilespmem:v34+s2+$0x0], $0xffff;
	_ =	sdelay $0x1  }
0xd3: {  	v34 =	vadd.s32 v24, v32;
	_ =	sdelay $0x3  }
0xd4: {  	[tilespmem:$0x4170] =	vst v33  }
0xd5: {  	v33 =	vld.idx.msk [tilespmem:v34+s2+$0x0], $0xffff;
	_ =	sdelay $0x1  }
0xd6: {  	v34 =	vadd.s32 v25, v32;
	_ =	sdelay $0x3  }
0xd7: {  	[tilespmem:$0x4180] =	vst v33  }
0xd8: {  	v33 =	vld.idx.msk [tilespmem:v34+s2+$0x0], $0xffff;
	_ =	sdelay $0x1  }
0xd9: {  	v34 =	vadd.s32 v26, v32;
	_ =	sdelay $0x3  }
0xda: {  	[tilespmem:$0x4190] =	vst v33  }
0xdb: {  	v33 =	vld.idx.msk [tilespmem:v34+s2+$0x0], $0xffff;
	_ =	sdelay $0x1  }
0xdc: {  	v34 =	vadd.s32 v27, v32;
	_ =	sdelay $0x3  }
0xdd: {  	[tilespmem:$0x41A0] =	vst v33  }
0xde: {  	v33 =	vld.idx.msk [tilespmem:v34+s2+$0x0], $0xffff;
	_ =	sdelay $0x1  }
0xdf: {  	v34 =	vadd.s32 v28, v32;
	_ =	sdelay $0x3  }
0xe0: {  	[tilespmem:$0x41B0] =	vst v33  }
0xe1: {  	v33 =	vld.idx.msk [tilespmem:v34+s2+$0x0], $0xffff;
	_ =	sdelay $0x1  }
0xe2: {  	v34 =	vadd.s32 v29, v32;
	_ =	sdelay $0x3  }
0xe3: {  	[tilespmem:$0x41C0] =	vst v33  }
0xe4: {  	v33 =	vld.idx.msk [tilespmem:v34+s2+$0x0], $0xffff;
	_ =	sdelay $0x1  }
0xe5: {  	v34 =	vadd.s32 v30, v32;
	_ =	sdelay $0x3  }
0xe6: {  	[tilespmem:$0x41D0] =	vst v33  }
0xe7: {  	v33 =	vld.idx.msk [tilespmem:v34+s2+$0x0], $0xffff;
	_ =	sdelay $0x1  }
0xe8: {  	v32 =	vadd.s32 v31, v32;
	_ =	sdelay $0x3  }
0xe9: {  	[tilespmem:$0x41E0] =	vst v33  }
0xea: {  	v32 =	vld.idx.msk [tilespmem:v32+s2+$0x0], $0xffff;
	_ =	sdelay $0x5  }
0xeb: {  	[tilespmem:$0x41F0] =	vst v32  }
0xec: {  	[tilespmem:s10], [sflag:$0x1] =	stream.indirect.gather [hbm4b:s22+s8], $0x10, s9, s8, $0xb8;
	[tilespmem:$0x6200] =	vst v63  }
0xed: {  	_ = 	snop  }
0xee: {  	[tilespmem:s12], [sflag:$0x1] =	stream.indirect.gather [hbm4b:s22+s8], $0x10, s11, s8, $0xb8;
	[tilespmem:$0x6200] =	vst v63  }
0xef: {  	_ = 	snop  }
0xf0: {  	[tilespmem:s14], [sflag:$0x1] =	stream.indirect.gather [hbm4b:s22+s8], $0x10, s13, s8, $0xb8;
	[tilespmem:$0x6200] =	vst v63  }
0xf1: {  	_ = 	snop  }
0xf2: {  	[tilespmem:s16], [sflag:$0x1] =	stream.indirect.gather [hbm4b:s22+s8], $0x10, s15, s8, $0xb8;
	[tilespmem:$0x6200] =	vst v63  }
0xf3: {  	_ =	swait.ge [sflag:s17], $0x800  }
0xf4: {  	[sflag:s17] =	ssyncset.done $0x0  }
0xf5: {  	[sflag:s17] =	ssyncadd.s32 $0xFFFFF800  }
0xf6: {  	_ =	swait.ge [sflag:s17], $0x800  }
0xf7: {  	[sflag:s17] =	ssyncset.done $0x0  }
0xf8: {  	[sflag:s17] =	ssyncadd.s32 $0xFFFFF800  }
0xf9: {  	_ =	swait.ge [sflag:s17], $0x800  }
0xfa: {  	[sflag:s17] =	ssyncset.done $0x0  }
0xfb: {  	[sflag:s17] =	ssyncadd.s32 $0xFFFFF800  }
0xfc: {  	v32 =	vmov s24;
	_ =	swait.ge [sflag:s17], $0x800  }
.Ltmp0:
0xfd: {  	v32 =	vand.u32 $0x3F, v32;
	[sflag:s17] =	ssyncset.done $0x0;
	(pc) =	sbr.rel @p0 .LBB2_2-.Ltmp0, $4  }
0xfe: {  	v33 =	vadd.s32 v0, v32;
	[sflag:s17] =	ssyncadd.s32 $0xFFFFF800  }
0xff: {  	[hbm4b:s21+s18] =	stream.strided.scatter [tilespmem:s10], [sflag:$0x2], $0x2000, s19, s18, $0x38;
	[tilespmem:$0x6200] =	vst v63  }
0x100: {  	_ =	swait.ge [sflag:s7], $0x2000  }
0x101: {  	s25 =	smov.u32 s23;
	s22 =	sadd.s32 $0x30D40, s22;
	[sflag:s7] =	ssyncset.done $0x0  }
0x102: {  	_ =	sdelay $0x2  }
0x103: {  	[sflag:s7] =	ssyncadd.s32 $0xFFFFE000  }
0x104: {  	v33 =	vld.idx.msk [tilespmem:v33+s2+$0x0], $0xffff  }
0x105: {  	v34 =	vadd.s32 v1, v32;
	_ =	sdelay $0x3  }
0x106: {  	[tilespmem:$0x4000] =	vst v33  }
0x107: {  	v33 =	vld.idx.msk [tilespmem:v34+s2+$0x0], $0xffff  }
0x108: {  	v62 =	vadd.s32 v2, v32;
	_ =	sdelay $0x3  }
0x109: {  	[tilespmem:$0x4010] =	vst v33  }
0x10a: {  	v33 =	vld.idx.msk [tilespmem:v62+s2+$0x0], $0xffff  }
0x10b: {  	v63 =	vadd.s32 v3, v32;
	_ =	sdelay $0x3  }
0x10c: {  	[tilespmem:$0x4020] =	vst v33  }
0x10d: {  	v33 =	vld.idx.msk [tilespmem:v63+s2+$0x0], $0xffff  }
0x10e: {  	v36 =	vadd.s32 v4, v32;
	_ =	sdelay $0x3  }
0x10f: {  	[tilespmem:$0x4030] =	vst v33  }
0x110: {  	v33 =	vld.idx.msk [tilespmem:v36+s2+$0x0], $0xffff  }
0x111: {  	v37 =	vadd.s32 v5, v32;
	_ =	sdelay $0x3  }
0x112: {  	[tilespmem:$0x4040] =	vst v33  }
0x113: {  	v33 =	vld.idx.msk [tilespmem:v37+s2+$0x0], $0xffff  }
0x114: {  	v38 =	vadd.s32 v6, v32;
	_ =	sdelay $0x3  }
0x115: {  	[tilespmem:$0x4050] =	vst v33  }
0x116: {  	v33 =	vld.idx.msk [tilespmem:v38+s2+$0x0], $0xffff  }
0x117: {  	v39 =	vadd.s32 v7, v32;
	_ =	sdelay $0x3  }
0x118: {  	[tilespmem:$0x4060] =	vst v33  }
0x119: {  	v33 =	vld.idx.msk [tilespmem:v39+s2+$0x0], $0xffff  }
0x11a: {  	v40 =	vadd.s32 v8, v32;
	_ =	sdelay $0x3  }
0x11b: {  	[tilespmem:$0x4070] =	vst v33  }
0x11c: {  	v33 =	vld.idx.msk [tilespmem:v40+s2+$0x0], $0xffff  }
0x11d: {  	v41 =	vadd.s32 v9, v32;
	_ =	sdelay $0x3  }
0x11e: {  	[tilespmem:$0x4080] =	vst v33  }
0x11f: {  	v33 =	vld.idx.msk [tilespmem:v41+s2+$0x0], $0xffff  }
0x120: {  	v42 =	vadd.s32 v10, v32;
	_ =	sdelay $0x3  }
0x121: {  	[tilespmem:$0x4090] =	vst v33  }
0x122: {  	v33 =	vld.idx.msk [tilespmem:v42+s2+$0x0], $0xffff  }
0x123: {  	v43 =	vadd.s32 v11, v32;
	_ =	sdelay $0x3  }
0x124: {  	[tilespmem:$0x40A0] =	vst v33  }
0x125: {  	v33 =	vld.idx.msk [tilespmem:v43+s2+$0x0], $0xffff  }
0x126: {  	v44 =	vadd.s32 v12, v32;
	_ =	sdelay $0x3  }
0x127: {  	[tilespmem:$0x40B0] =	vst v33  }
0x128: {  	v33 =	vld.idx.msk [tilespmem:v44+s2+$0x0], $0xffff  }
0x129: {  	v45 =	vadd.s32 v13, v32;
	_ =	sdelay $0x3  }
0x12a: {  	[tilespmem:$0x40C0] =	vst v33  }
0x12b: {  	v33 =	vld.idx.msk [tilespmem:v45+s2+$0x0], $0xffff  }
0x12c: {  	v46 =	vadd.s32 v14, v32;
	_ =	sdelay $0x3  }
0x12d: {  	[tilespmem:$0x40D0] =	vst v33  }
0x12e: {  	v33 =	vld.idx.msk [tilespmem:v46+s2+$0x0], $0xffff  }
0x12f: {  	v47 =	vadd.s32 v15, v32;
	_ =	sdelay $0x3  }
0x130: {  	[tilespmem:$0x40E0] =	vst v33  }
0x131: {  	v33 =	vld.idx.msk [tilespmem:v47+s2+$0x0], $0xffff  }
0x132: {  	v48 =	vadd.s32 v16, v32;
	_ =	sdelay $0x3  }
0x133: {  	[tilespmem:$0x40F0] =	vst v33  }
0x134: {  	v33 =	vld.idx.msk [tilespmem:v48+s2+$0x0], $0xffff  }
0x135: {  	v49 =	vadd.s32 v17, v32;
	_ =	sdelay $0x3  }
0x136: {  	[tilespmem:$0x4100] =	vst v33  }
0x137: {  	v33 =	vld.idx.msk [tilespmem:v49+s2+$0x0], $0xffff  }
0x138: {  	v50 =	vadd.s32 v18, v32;
	_ =	sdelay $0x3  }
0x139: {  	[tilespmem:$0x4110] =	vst v33  }
0x13a: {  	v33 =	vld.idx.msk [tilespmem:v50+s2+$0x0], $0xffff  }
0x13b: {  	v51 =	vadd.s32 v19, v32;
	_ =	sdelay $0x3  }
0x13c: {  	[tilespmem:$0x4120] =	vst v33  }
0x13d: {  	v33 =	vld.idx.msk [tilespmem:v51+s2+$0x0], $0xffff  }
0x13e: {  	v52 =	vadd.s32 v20, v32;
	_ =	sdelay $0x3  }
0x13f: {  	[tilespmem:$0x4130] =	vst v33  }
0x140: {  	v33 =	vld.idx.msk [tilespmem:v52+s2+$0x0], $0xffff  }
0x141: {  	v53 =	vadd.s32 v21, v32;
	_ =	sdelay $0x3  }
0x142: {  	[tilespmem:$0x4140] =	vst v33  }
0x143: {  	v33 =	vld.idx.msk [tilespmem:v53+s2+$0x0], $0xffff  }
0x144: {  	v54 =	vadd.s32 v22, v32;
	_ =	sdelay $0x3  }
0x145: {  	[tilespmem:$0x4150] =	vst v33  }
0x146: {  	v33 =	vld.idx.msk [tilespmem:v54+s2+$0x0], $0xffff  }
0x147: {  	v55 =	vadd.s32 v23, v32;
	_ =	sdelay $0x3  }
0x148: {  	[tilespmem:$0x4160] =	vst v33  }
0x149: {  	v33 =	vld.idx.msk [tilespmem:v55+s2+$0x0], $0xffff  }
0x14a: {  	v56 =	vadd.s32 v24, v32;
	_ =	sdelay $0x3  }
0x14b: {  	[tilespmem:$0x4170] =	vst v33  }
0x14c: {  	v33 =	vld.idx.msk [tilespmem:v56+s2+$0x0], $0xffff  }
0x14d: {  	v57 =	vadd.s32 v25, v32;
	_ =	sdelay $0x3  }
0x14e: {  	[tilespmem:$0x4180] =	vst v33  }
0x14f: {  	v33 =	vld.idx.msk [tilespmem:v57+s2+$0x0], $0xffff  }
0x150: {  	v58 =	vadd.s32 v26, v32;
	_ =	sdelay $0x3  }
0x151: {  	[tilespmem:$0x4190] =	vst v33  }
0x152: {  	v33 =	vld.idx.msk [tilespmem:v58+s2+$0x0], $0xffff  }
0x153: {  	v59 =	vadd.s32 v27, v32;
	_ =	sdelay $0x3  }
0x154: {  	[tilespmem:$0x41A0] =	vst v33  }
0x155: {  	v33 =	vld.idx.msk [tilespmem:v59+s2+$0x0], $0xffff  }
0x156: {  	v60 =	vadd.s32 v28, v32;
	_ =	sdelay $0x3  }
0x157: {  	[tilespmem:$0x41B0] =	vst v33  }
0x158: {  	v33 =	vld.idx.msk [tilespmem:v60+s2+$0x0], $0xffff  }
0x159: {  	v61 =	vadd.s32 v29, v32;
	_ =	sdelay $0x3  }
0x15a: {  	[tilespmem:$0x41C0] =	vst v33  }
0x15b: {  	v33 =	vld.idx.msk [tilespmem:v61+s2+$0x0], $0xffff  }
0x15c: {  	v62 =	vadd.s32 v30, v32;
	_ =	sdelay $0x3  }
0x15d: {  	[tilespmem:$0x41D0] =	vst v33  }
0x15e: {  	v33 =	vld.idx.msk [tilespmem:v62+s2+$0x0], $0xffff  }
0x15f: {  	v63 =	vadd.s32 v31, v32;
	_ =	sdelay $0x3  }
0x160: {  	[tilespmem:$0x41E0] =	vst v33  }
0x161: {  	v32 =	vld.idx.msk [tilespmem:v63+s2+$0x0], $0xffff;
	_ =	sdelay $0x4  }
0x162: {  	[tilespmem:$0x41F0] =	vst v32  }
0x163: {  	[tilespmem:s10], [sflag:$0x1] =	stream.indirect.gather [hbm4b:s22+s8], $0x10, s9, s8, $0xb8;
	[tilespmem:$0x6200] =	vst v63  }
0x164: {  	_ = 	snop  }
0x165: {  	[tilespmem:s12], [sflag:$0x1] =	stream.indirect.gather [hbm4b:s22+s8], $0x10, s11, s8, $0xb8;
	[tilespmem:$0x6200] =	vst v63  }
0x166: {  	_ = 	snop  }
0x167: {  	[tilespmem:s14], [sflag:$0x1] =	stream.indirect.gather [hbm4b:s22+s8], $0x10, s13, s8, $0xb8;
	[tilespmem:$0x6200] =	vst v63  }
0x168: {  	_ = 	snop  }
0x169: {  	[tilespmem:s16], [sflag:$0x1] =	stream.indirect.gather [hbm4b:s22+s8], $0x10, s15, s8, $0xb8;
	[tilespmem:$0x6200] =	vst v63  }
0x16a: {  	_ =	swait.ge [sflag:s17], $0x800  }
0x16b: {  	[sflag:s17] =	ssyncset.done $0x0  }
0x16c: {  	[sflag:s17] =	ssyncadd.s32 $0xFFFFF800  }
0x16d: {  	_ =	swait.ge [sflag:s17], $0x800  }
0x16e: {  	[sflag:s17] =	ssyncset.done $0x0  }
0x16f: {  	[sflag:s17] =	ssyncadd.s32 $0xFFFFF800  }
0x170: {  	_ =	swait.ge [sflag:s17], $0x800  }
0x171: {  	[sflag:s17] =	ssyncset.done $0x0  }
0x172: {  	[sflag:s17] =	ssyncadd.s32 $0xFFFFF800  }
0x173: {  	s20 =	sadd.s32 $0x1, s20;
	_ =	swait.ge [sflag:s17], $0x800  }
0x174: {  	p0 =	sne.s32 s20, s4;
	[sflag:s17] =	ssyncset.done $0x0  }
.Ltmp1:
0x175: {  	s21 =	sadd.s32 $0x2, s21;
	[sflag:s17] =	ssyncadd.s32 $0xFFFFF800;
	(pc) =	sbr.rel @p0 .LBB2_1-.Ltmp1, $4  }
0x176: {  	[hbm4b:s21+s18] =	stream.strided.scatter [tilespmem:s10], [sflag:$0x2], $0x2000, s19, s18, $0x38;
	[tilespmem:$0x6200] =	vst v63  }
0x177: {  	_ =	swait.ge [sflag:s7], $0x2000  }
0x178: {  	[sflag:s7] =	ssyncset.done $0x0  }
0x179: {  	[sflag:s7] =	ssyncadd.s32 $0xFFFFE000  }
0x17a: {  	_ =	sfence.sel $0x180000  }
0x17b: {  	[bflag:$0x0] =	sbarrier.arrive $0xFFFF  }
0x17c: {  	p0 =	sne.s32 s1, $0x0;
	_ =	strace $0x90000047  }
0x17d: {  	s0 =	sadd.s32 @!p0 $0x100000, s0;
	[bflag:$0x2] =	sbarrier.arrive $0xFFFF  }
0x17e: {  	[sflag:s0] =	ssyncadd.tile.s32 @!p0 $0x1;
	_ =	shalt  }
.Lfunc_end2:
_tile_overlayer_lowered:
.L_overlay_start_2:
0x17f: {  	(tag) =	ssettag $0x2  }
0x180: {  	s0 =	rddreg [dreg:$0x0];
	s2 =	stileid.u32  }
0x181: {  	s1 =	rddreg [dreg:$0x1];
	p0 =	sne.s32 s2, $0x0  }
0x182: {  	s3 =	rddreg [dreg:$0x2];
	[bflag:$0x3] =	sbarrier.arrive $0xFFFF;
	s2 =	simm.s32 @!p0 $0x1C02  }
0x183: {  	[timem:s3], [sflag:s2] =	dma.local @!p0 [hbm:s0], s1  }
0x184: {  	s0 =	simm.s32 @!p0 $0x2  }
0x185: {  	_ =	swait.ge @!p0 [sflag:s0], s1  }
0x186: {  	s1 =	ssub.s32 @!p0 $0x0, s1;
	[sflag:s0] =	ssyncset.done @!p0 $0x0  }
0x187: {  	[sflag:s0] =	ssyncadd.s32 @!p0 s1  }
0x188: {  	[bflag:$0x3] =	sbarrier.arrive $0xFFFF  }
0x189: {  	_ =	shalt  }

</sc_bundles>
